<compile_context>
chip_gen: v7x
topology: tpu7x:2x2x1
jax: 0.10.2.dev20260603
libtpu: 0.0.44.dev20260713+nightly
codegen_flags: <defaults>
</compile_context>

<pallas_src>
import functools

import jax
import jax.numpy as jnp
from jax import lax
from jax.experimental import pallas as pl
from jax.experimental.pallas import tpu as pltpu
from jax.experimental.pallas import tpu_sc as plsc

_NC = 2
_NS = 16
_NW = _NC * _NS

_CHUNK = 16
_NBUF = 7


@functools.partial(jax.jit, static_argnums=(2, 3))
def _sc_gather(embedding, idx_flat, N, D):
    b_per_w = N // _NW
    nchunks = b_per_w // _CHUNK
    mesh = plsc.VectorSubcoreMesh(core_axis_name="c", subcore_axis_name="s")

    @functools.partial(
        pl.kernel,
        out_type=jax.ShapeDtypeStruct((N, D), jnp.float32),
        mesh=mesh,
        scratch_types=(
            [pltpu.VMEM((b_per_w,), jnp.int32)]
            + [pltpu.VMEM((_CHUNK, D), jnp.float32) for _ in range(_NBUF)]
            + [pltpu.SemaphoreType.DMA for _ in range(2 * _NBUF)]
        ),
    )
    def gather_kernel(table_hbm, idx_hbm, out_hbm, idx_v, *scratch):
        bufs = scratch[:_NBUF]
        gsems = scratch[_NBUF:2 * _NBUF]
        osems = scratch[2 * _NBUF:]
        wid = lax.axis_index("s") * _NC + lax.axis_index("c")
        base = wid * b_per_w
        pltpu.sync_copy(idx_hbm.at[pl.ds(base, b_per_w)], idx_v)

        def start_gather(g, b):
            return pltpu.async_copy(
                table_hbm.at[idx_v.at[pl.ds(g * _CHUNK, _CHUNK)]],
                bufs[b], gsems[b])

        gathers = [None] * _NBUF
        outs = [None] * _NBUF
        for g in range(min(_NBUF - 1, nchunks)):
            gathers[g] = start_gather(g, g)
        for g in range(nchunks):
            s = g % _NBUF
            fg = g + _NBUF - 1
            if fg < nchunks:
                fs = fg % _NBUF
                if outs[fs] is not None:
                    outs[fs].wait()
                    outs[fs] = None
                gathers[fs] = start_gather(fg, fs)
            gathers[s].wait()
            outs[s] = pltpu.async_copy(
                bufs[s], out_hbm.at[pl.ds(base + g * _CHUNK, _CHUNK)], osems[s])
        for o in outs:
            if o is not None:
                o.wait()

    return gather_kernel(embedding, idx_flat)


def kernel(x, embedding):
    B, S = x.shape
    V, D = embedding.shape
    idx_flat = x.reshape(B * S).astype(jnp.int32)
    out = _sc_gather(embedding, idx_flat, B * S, D)
    return out.reshape(B, S, D)

# --- scband reference (transcript-rebuilt; emitter-appended) ---
"""Pipeline reference for scband-embeddings-20289425506606 (READ-ONLY COPY).

The authoritative reference and input builder live on the scoring server;
editing this copy changes nothing except your own understanding.
"""

import jax, jax.numpy as jnp
import numpy as np

VOCAB = 100000
D_MODEL = 1024
BATCH = 4
SEQ = 4096

def setup_inputs(seed: int = 0) -> dict:
    key = jax.random.key(seed)
    k_idx, k_emb = jax.random.split(key)
    x = jax.random.randint(k_idx, (BATCH, SEQ), 0, VOCAB, dtype=jnp.int64 if jax.config.jax_enable_x64 else jnp.int32)
    # nn.Embed default init ~ variance_scaling(1.0, 'fan_in', 'normal'); approximate with scaled normal
    embedding = jax.random.normal(k_emb, (VOCAB, D_MODEL), dtype=jnp.float32) * (1.0 / np.sqrt(D_MODEL))
    return {"x": x, "embedding": embedding}

def reference(x, embedding):
    # Embeddings.__call__ with out=False on a single device:
    #   x = self.embedding(x)  -> gather rows of the table
    #   jax.lax.all_to_all over a 1-sized 'tensor' axis is identity
    #   RMSNorm branch only runs during param init (is_mutable_collection('params')), not at apply time
    out = jnp.take(embedding, x, axis=0)
    return out

if __name__ == "__main__":
    import jax
    _d = setup_inputs()
    print(jax.jit(kernel)(*tuple(_d.values())))

</pallas_src>

<mosaic_0001>
#map = affine_map<(d0, d1) -> (0, 0)>
#map1 = affine_map<(d0, d1) -> (0)>
module attributes {stable_mosaic.version = 14 : i64} {
  func.func @gather_kernel(%arg0: i32, %arg1: i32, %arg2: memref<100000x1024xf32, #tpu.memory_space<hbm>>, %arg3: memref<16384xi32, #tpu.memory_space<hbm>>, %arg4: memref<16384x1024xf32, #tpu.memory_space<hbm>>, %arg5: memref<512xi32, #tpu.memory_space<vmem>>, %arg6: memref<16x1024xf32, #tpu.memory_space<vmem>>, %arg7: memref<16x1024xf32, #tpu.memory_space<vmem>>, %arg8: memref<16x1024xf32, #tpu.memory_space<vmem>>, %arg9: memref<16x1024xf32, #tpu.memory_space<vmem>>, %arg10: memref<16x1024xf32, #tpu.memory_space<vmem>>, %arg11: memref<16x1024xf32, #tpu.memory_space<vmem>>, %arg12: memref<16x1024xf32, #tpu.memory_space<vmem>>, %arg13: memref<!tpu.dma_semaphore, #tpu.memory_space<semaphore_mem>>, %arg14: memref<!tpu.dma_semaphore, #tpu.memory_space<semaphore_mem>>, %arg15: memref<!tpu.dma_semaphore, #tpu.memory_space<semaphore_mem>>, %arg16: memref<!tpu.dma_semaphore, #tpu.memory_space<semaphore_mem>>, %arg17: memref<!tpu.dma_semaphore, #tpu.memory_space<semaphore_mem>>, %arg18: memref<!tpu.dma_semaphore, #tpu.memory_space<semaphore_mem>>, %arg19: memref<!tpu.dma_semaphore, #tpu.memory_space<semaphore_mem>>, %arg20: memref<!tpu.dma_semaphore, #tpu.memory_space<semaphore_mem>>, %arg21: memref<!tpu.dma_semaphore, #tpu.memory_space<semaphore_mem>>, %arg22: memref<!tpu.dma_semaphore, #tpu.memory_space<semaphore_mem>>, %arg23: memref<!tpu.dma_semaphore, #tpu.memory_space<semaphore_mem>>, %arg24: memref<!tpu.dma_semaphore, #tpu.memory_space<semaphore_mem>>, %arg25: memref<!tpu.dma_semaphore, #tpu.memory_space<semaphore_mem>>, %arg26: memref<!tpu.dma_semaphore, #tpu.memory_space<semaphore_mem>>) attributes {dimension_semantics = [#tpu.dimension_semantics<core_parallel>, #tpu.dimension_semantics<subcore_parallel>], iteration_bounds = array<i64: 2, 16>, scalar_prefetch = 0 : i64, scratch_operands = 22 : i64, tpu.core_type = #tpu.core_type<sc_vector_subcore>, window_params = [{transform_indices = #map}, {transform_indices = #map1}, {transform_indices = #map}]} {
    %mul3A = arith.constant 2 : i32
    %mul3A_0 = arith.muli %arg1, %mul3A : i32
    %add3A = arith.addi %mul3A_0, %arg0 : i32
    %mul3A_1 = arith.constant 512 : i32
    %mul3A_2 = arith.muli %add3A, %mul3A_1 : i32
    "tpu.region"() ({
      %run_scoped3A = tpu.sem_alloc : memref<!tpu.dma_semaphore, #tpu.memory_space<semaphore_mem>>
      %dma_start3A_641 = tpu.memref_slice %arg3[%mul3A_2] : memref<16384xi32, #tpu.memory_space<hbm>> -> memref<512xi32, #tpu.memory_space<hbm>>
      %dma_start3A_642 = tpu.memref_slice %arg3[%mul3A_2] : memref<16384xi32, #tpu.memory_space<hbm>> -> memref<512xi32, #tpu.memory_space<hbm>>
      tpu.enqueue_dma source(%dma_start3A_642 : memref<512xi32, #tpu.memory_space<hbm>>) target(%arg5 : memref<512xi32, #tpu.memory_space<vmem>>) target_semaphore(%run_scoped3A : memref<!tpu.dma_semaphore, #tpu.memory_space<semaphore_mem>>)
      %dma_wait3A_643 = tpu.memref_slice %arg3[%mul3A_2] : memref<16384xi32, #tpu.memory_space<hbm>> -> memref<512xi32, #tpu.memory_space<hbm>>
      %dma_wait3A_644 = tpu.memref_slice %arg3[%mul3A_2] : memref<16384xi32, #tpu.memory_space<hbm>> -> memref<512xi32, #tpu.memory_space<hbm>>
      tpu.wait_dma2 semaphore(%run_scoped3A : memref<!tpu.dma_semaphore, #tpu.memory_space<semaphore_mem>>) src(%dma_wait3A_644 : memref<512xi32, #tpu.memory_space<hbm>>) dst(%arg5 : memref<512xi32, #tpu.memory_space<vmem>>)
      tpu.yield
    }) : () -> ()
    %dma_start3A = arith.constant 0 : i32
    %dma_start3A_3 = tpu.memref_slice %arg5[%dma_start3A] : memref<512xi32, #tpu.memory_space<vmem>> -> memref<16xi32, #tpu.memory_space<vmem>>
    %dma_start3A_4 = arith.constant 0 : i32
    %dma_start3A_5 = arith.constant 0 : i32
    %dma_start3A_6 = tpu.memref_slice %arg2[%dma_start3A_4, %dma_start3A_5] : memref<100000x1024xf32, #tpu.memory_space<hbm>> -> memref<100000x1024xf32, #tpu.memory_space<hbm>>
    tpu.enqueue_indirect_dma source(%dma_start3A_6 : memref<100000x1024xf32, #tpu.memory_space<hbm>>) target(%arg6 : memref<16x1024xf32, #tpu.memory_space<vmem>>) offsets(%dma_start3A_3 : memref<16xi32, #tpu.memory_space<vmem>>) semaphore(%arg13 : memref<!tpu.dma_semaphore, #tpu.memory_space<semaphore_mem>>)
    %dma_start3A_7 = arith.constant 16 : i32
    %dma_start3A_8 = tpu.memref_slice %arg5[%dma_start3A_7] : memref<512xi32, #tpu.memory_space<vmem>> -> memref<16xi32, #tpu.memory_space<vmem>>
    %dma_start3A_9 = arith.constant 0 : i32
    %dma_start3A_10 = arith.constant 0 : i32
    %dma_start3A_11 = tpu.memref_slice %arg2[%dma_start3A_9, %dma_start3A_10] : memref<100000x1024xf32, #tpu.memory_space<hbm>> -> memref<100000x1024xf32, #tpu.memory_space<hbm>>
    tpu.enqueue_indirect_dma source(%dma_start3A_11 : memref<100000x1024xf32, #tpu.memory_space<hbm>>) target(%arg7 : memref<16x1024xf32, #tpu.memory_space<vmem>>) offsets(%dma_start3A_8 : memref<16xi32, #tpu.memory_space<vmem>>) semaphore(%arg14 : memref<!tpu.dma_semaphore, #tpu.memory_space<semaphore_mem>>)
    %dma_start3A_12 = arith.constant 32 : i32
    %dma_start3A_13 = tpu.memref_slice %arg5[%dma_start3A_12] : memref<512xi32, #tpu.memory_space<vmem>> -> memref<16xi32, #tpu.memory_space<vmem>>
    %dma_start3A_14 = arith.constant 0 : i32
    %dma_start3A_15 = arith.constant 0 : i32
    %dma_start3A_16 = tpu.memref_slice %arg2[%dma_start3A_14, %dma_start3A_15] : memref<100000x1024xf32, #tpu.memory_space<hbm>> -> memref<100000x1024xf32, #tpu.memory_space<hbm>>
    tpu.enqueue_indirect_dma source(%dma_start3A_16 : memref<100000x1024xf32, #tpu.memory_space<hbm>>) target(%arg8 : memref<16x1024xf32, #tpu.memory_space<vmem>>) offsets(%dma_start3A_13 : memref<16xi32, #tpu.memory_space<vmem>>) semaphore(%arg15 : memref<!tpu.dma_semaphore, #tpu.memory_space<semaphore_mem>>)
    %dma_start3A_17 = arith.constant 48 : i32
    %dma_start3A_18 = tpu.memref_slice %arg5[%dma_start3A_17] : memref<512xi32, #tpu.memory_space<vmem>> -> memref<16xi32, #tpu.memory_space<vmem>>
    %dma_start3A_19 = arith.constant 0 : i32
    %dma_start3A_20 = arith.constant 0 : i32
    %dma_start3A_21 = tpu.memref_slice %arg2[%dma_start3A_19, %dma_start3A_20] : memref<100000x1024xf32, #tpu.memory_space<hbm>> -> memref<100000x1024xf32, #tpu.memory_space<hbm>>
    tpu.enqueue_indirect_dma source(%dma_start3A_21 : memref<100000x1024xf32, #tpu.memory_space<hbm>>) target(%arg9 : memref<16x1024xf32, #tpu.memory_space<vmem>>) offsets(%dma_start3A_18 : memref<16xi32, #tpu.memory_space<vmem>>) semaphore(%arg16 : memref<!tpu.dma_semaphore, #tpu.memory_space<semaphore_mem>>)
    %dma_start3A_22 = arith.constant 64 : i32
    %dma_start3A_23 = tpu.memref_slice %arg5[%dma_start3A_22] : memref<512xi32, #tpu.memory_space<vmem>> -> memref<16xi32, #tpu.memory_space<vmem>>
    %dma_start3A_24 = arith.constant 0 : i32
    %dma_start3A_25 = arith.constant 0 : i32
    %dma_start3A_26 = tpu.memref_slice %arg2[%dma_start3A_24, %dma_start3A_25] : memref<100000x1024xf32, #tpu.memory_space<hbm>> -> memref<100000x1024xf32, #tpu.memory_space<hbm>>
    tpu.enqueue_indirect_dma source(%dma_start3A_26 : memref<100000x1024xf32, #tpu.memory_space<hbm>>) target(%arg10 : memref<16x1024xf32, #tpu.memory_space<vmem>>) offsets(%dma_start3A_23 : memref<16xi32, #tpu.memory_space<vmem>>) semaphore(%arg17 : memref<!tpu.dma_semaphore, #tpu.memory_space<semaphore_mem>>)
    %dma_start3A_27 = arith.constant 80 : i32
    %dma_start3A_28 = tpu.memref_slice %arg5[%dma_start3A_27] : memref<512xi32, #tpu.memory_space<vmem>> -> memref<16xi32, #tpu.memory_space<vmem>>
    %dma_start3A_29 = arith.constant 0 : i32
    %dma_start3A_30 = arith.constant 0 : i32
    %dma_start3A_31 = tpu.memref_slice %arg2[%dma_start3A_29, %dma_start3A_30] : memref<100000x1024xf32, #tpu.memory_space<hbm>> -> memref<100000x1024xf32, #tpu.memory_space<hbm>>
    tpu.enqueue_indirect_dma source(%dma_start3A_31 : memref<100000x1024xf32, #tpu.memory_space<hbm>>) target(%arg11 : memref<16x1024xf32, #tpu.memory_space<vmem>>) offsets(%dma_start3A_28 : memref<16xi32, #tpu.memory_space<vmem>>) semaphore(%arg18 : memref<!tpu.dma_semaphore, #tpu.memory_space<semaphore_mem>>)
    %dma_start3A_32 = arith.constant 96 : i32
    %dma_start3A_33 = tpu.memref_slice %arg5[%dma_start3A_32] : memref<512xi32, #tpu.memory_space<vmem>> -> memref<16xi32, #tpu.memory_space<vmem>>
    %dma_start3A_34 = arith.constant 0 : i32
    %dma_start3A_35 = arith.constant 0 : i32
    %dma_start3A_36 = tpu.memref_slice %arg2[%dma_start3A_34, %dma_start3A_35] : memref<100000x1024xf32, #tpu.memory_space<hbm>> -> memref<100000x1024xf32, #tpu.memory_space<hbm>>
    tpu.enqueue_indirect_dma source(%dma_start3A_36 : memref<100000x1024xf32, #tpu.memory_space<hbm>>) target(%arg12 : memref<16x1024xf32, #tpu.memory_space<vmem>>) offsets(%dma_start3A_33 : memref<16xi32, #tpu.memory_space<vmem>>) semaphore(%arg19 : memref<!tpu.dma_semaphore, #tpu.memory_space<semaphore_mem>>)
    %dma_wait3A = arith.constant 0 : i32
    %dma_wait3A_37 = tpu.memref_slice %arg5[%dma_wait3A] : memref<512xi32, #tpu.memory_space<vmem>> -> memref<16xi32, #tpu.memory_space<vmem>>
    %dma_wait3A_38 = arith.constant 0 : i32
    %dma_wait3A_39 = arith.constant 0 : i32
    %dma_wait3A_40 = tpu.memref_slice %arg2[%dma_wait3A_38, %dma_wait3A_39] : memref<100000x1024xf32, #tpu.memory_space<hbm>> -> memref<100000x1024xf32, #tpu.memory_space<hbm>>
    tpu.wait_indirect_dma semaphore(%arg13 : memref<!tpu.dma_semaphore, #tpu.memory_space<semaphore_mem>>) src(%dma_wait3A_40 : memref<100000x1024xf32, #tpu.memory_space<hbm>>) dst(%arg6 : memref<16x1024xf32, #tpu.memory_space<vmem>>)
    %add3A_41 = arith.constant 0 : i32
    %add3A_42 = arith.addi %mul3A_2, %add3A_41 : i32
    %dma_start3A_43 = arith.constant 0 : i32
    %dma_start3A_44 = tpu.memref_slice %arg4[%add3A_42, %dma_start3A_43] : memref<16384x1024xf32, #tpu.memory_space<hbm>> -> memref<16x1024xf32, #tpu.memory_space<hbm>>
    %dma_start3A_45 = arith.constant 0 : i32
    %dma_start3A_46 = tpu.memref_slice %arg4[%add3A_42, %dma_start3A_45] : memref<16384x1024xf32, #tpu.memory_space<hbm>> -> memref<16x1024xf32, #tpu.memory_space<hbm>>
    tpu.enqueue_dma source(%arg6 : memref<16x1024xf32, #tpu.memory_space<vmem>>) target(%dma_start3A_46 : memref<16x1024xf32, #tpu.memory_space<hbm>>) target_semaphore(%arg20 : memref<!tpu.dma_semaphore, #tpu.memory_space<semaphore_mem>>)
    %dma_wait3A_47 = arith.constant 0 : i32
    %dma_wait3A_48 = tpu.memref_slice %arg4[%add3A_42, %dma_wait3A_47] : memref<16384x1024xf32, #tpu.memory_space<hbm>> -> memref<16x1024xf32, #tpu.memory_space<hbm>>
    %dma_wait3A_49 = arith.constant 0 : i32
    %dma_wait3A_50 = tpu.memref_slice %arg4[%add3A_42, %dma_wait3A_49] : memref<16384x1024xf32, #tpu.memory_space<hbm>> -> memref<16x1024xf32, #tpu.memory_space<hbm>>
    tpu.wait_dma2 semaphore(%arg20 : memref<!tpu.dma_semaphore, #tpu.memory_space<semaphore_mem>>) src(%arg6 : memref<16x1024xf32, #tpu.memory_space<vmem>>) dst(%dma_wait3A_50 : memref<16x1024xf32, #tpu.memory_space<hbm>>)
    %dma_start3A_51 = arith.constant 112 : i32
    %dma_start3A_52 = tpu.memref_slice %arg5[%dma_start3A_51] : memref<512xi32, #tpu.memory_space<vmem>> -> memref<16xi32, #tpu.memory_space<vmem>>
    %dma_start3A_53 = arith.constant 0 : i32
    %dma_start3A_54 = arith.constant 0 : i32
    %dma_start3A_55 = tpu.memref_slice %arg2[%dma_start3A_53, %dma_start3A_54] : memref<100000x1024xf32, #tpu.memory_space<hbm>> -> memref<100000x1024xf32, #tpu.memory_space<hbm>>
    tpu.enqueue_indirect_dma source(%dma_start3A_55 : memref<100000x1024xf32, #tpu.memory_space<hbm>>) target(%arg6 : memref<16x1024xf32, #tpu.memory_space<vmem>>) offsets(%dma_start3A_52 : memref<16xi32, #tpu.memory_space<vmem>>) semaphore(%arg13 : memref<!tpu.dma_semaphore, #tpu.memory_space<semaphore_mem>>)
    %dma_wait3A_56 = arith.constant 16 : i32
    %dma_wait3A_57 = tpu.memref_slice %arg5[%dma_wait3A_56] : memref<512xi32, #tpu.memory_space<vmem>> -> memref<16xi32, #tpu.memory_space<vmem>>
    %dma_wait3A_58 = arith.constant 0 : i32
    %dma_wait3A_59 = arith.constant 0 : i32
    %dma_wait3A_60 = tpu.memref_slice %arg2[%dma_wait3A_58, %dma_wait3A_59] : memref<100000x1024xf32, #tpu.memory_space<hbm>> -> memref<100000x1024xf32, #tpu.memory_space<hbm>>
    tpu.wait_indirect_dma semaphore(%arg14 : memref<!tpu.dma_semaphore, #tpu.memory_space<semaphore_mem>>) src(%dma_wait3A_60 : memref<100000x1024xf32, #tpu.memory_space<hbm>>) dst(%arg7 : memref<16x1024xf32, #tpu.memory_space<vmem>>)
    %add3A_61 = arith.constant 16 : i32
    %add3A_62 = arith.addi %mul3A_2, %add3A_61 : i32
    %dma_start3A_63 = arith.constant 0 : i32
    %dma_start3A_64 = tpu.memref_slice %arg4[%add3A_62, %dma_start3A_63] : memref<16384x1024xf32, #tpu.memory_space<hbm>> -> memref<16x1024xf32, #tpu.memory_space<hbm>>
    %dma_start3A_65 = arith.constant 0 : i32
    %dma_start3A_66 = tpu.memref_slice %arg4[%add3A_62, %dma_start3A_65] : memref<16384x1024xf32, #tpu.memory_space<hbm>> -> memref<16x1024xf32, #tpu.memory_space<hbm>>
    tpu.enqueue_dma source(%arg7 : memref<16x1024xf32, #tpu.memory_space<vmem>>) target(%dma_start3A_66 : memref<16x1024xf32, #tpu.memory_space<hbm>>) target_semaphore(%arg21 : memref<!tpu.dma_semaphore, #tpu.memory_space<semaphore_mem>>)
    %dma_wait3A_67 = arith.constant 0 : i32
    %dma_wait3A_68 = tpu.memref_slice %arg4[%add3A_62, %dma_wait3A_67] : memref<16384x1024xf32, #tpu.memory_space<hbm>> -> memref<16x1024xf32, #tpu.memory_space<hbm>>
    %dma_wait3A_69 = arith.constant 0 : i32
    %dma_wait3A_70 = tpu.memref_slice %arg4[%add3A_62, %dma_wait3A_69] : memref<16384x1024xf32, #tpu.memory_space<hbm>> -> memref<16x1024xf32, #tpu.memory_space<hbm>>
    tpu.wait_dma2 semaphore(%arg21 : memref<!tpu.dma_semaphore, #tpu.memory_space<semaphore_mem>>) src(%arg7 : memref<16x1024xf32, #tpu.memory_space<vmem>>) dst(%dma_wait3A_70 : memref<16x1024xf32, #tpu.memory_space<hbm>>)
    %dma_start3A_71 = arith.constant 128 : i32
    %dma_start3A_72 = tpu.memref_slice %arg5[%dma_start3A_71] : memref<512xi32, #tpu.memory_space<vmem>> -> memref<16xi32, #tpu.memory_space<vmem>>
    %dma_start3A_73 = arith.constant 0 : i32
    %dma_start3A_74 = arith.constant 0 : i32
    %dma_start3A_75 = tpu.memref_slice %arg2[%dma_start3A_73, %dma_start3A_74] : memref<100000x1024xf32, #tpu.memory_space<hbm>> -> memref<100000x1024xf32, #tpu.memory_space<hbm>>
    tpu.enqueue_indirect_dma source(%dma_start3A_75 : memref<100000x1024xf32, #tpu.memory_space<hbm>>) target(%arg7 : memref<16x1024xf32, #tpu.memory_space<vmem>>) offsets(%dma_start3A_72 : memref<16xi32, #tpu.memory_space<vmem>>) semaphore(%arg14 : memref<!tpu.dma_semaphore, #tpu.memory_space<semaphore_mem>>)
    %dma_wait3A_76 = arith.constant 32 : i32
    %dma_wait3A_77 = tpu.memref_slice %arg5[%dma_wait3A_76] : memref<512xi32, #tpu.memory_space<vmem>> -> memref<16xi32, #tpu.memory_space<vmem>>
    %dma_wait3A_78 = arith.constant 0 : i32
    %dma_wait3A_79 = arith.constant 0 : i32
    %dma_wait3A_80 = tpu.memref_slice %arg2[%dma_wait3A_78, %dma_wait3A_79] : memref<100000x1024xf32, #tpu.memory_space<hbm>> -> memref<100000x1024xf32, #tpu.memory_space<hbm>>
    tpu.wait_indirect_dma semaphore(%arg15 : memref<!tpu.dma_semaphore, #tpu.memory_space<semaphore_mem>>) src(%dma_wait3A_80 : memref<100000x1024xf32, #tpu.memory_space<hbm>>) dst(%arg8 : memref<16x1024xf32, #tpu.memory_space<vmem>>)
    %add3A_81 = arith.constant 32 : i32
    %add3A_82 = arith.addi %mul3A_2, %add3A_81 : i32
    %dma_start3A_83 = arith.constant 0 : i32
    %dma_start3A_84 = tpu.memref_slice %arg4[%add3A_82, %dma_start3A_83] : memref<16384x1024xf32, #tpu.memory_space<hbm>> -> memref<16x1024xf32, #tpu.memory_space<hbm>>
    %dma_start3A_85 = arith.constant 0 : i32
    %dma_start3A_86 = tpu.memref_slice %arg4[%add3A_82, %dma_start3A_85] : memref<16384x1024xf32, #tpu.memory_space<hbm>> -> memref<16x1024xf32, #tpu.memory_space<hbm>>
    tpu.enqueue_dma source(%arg8 : memref<16x1024xf32, #tpu.memory_space<vmem>>) target(%dma_start3A_86 : memref<16x1024xf32, #tpu.memory_space<hbm>>) target_semaphore(%arg22 : memref<!tpu.dma_semaphore, #tpu.memory_space<semaphore_mem>>)
    %dma_wait3A_87 = arith.constant 0 : i32
    %dma_wait3A_88 = tpu.memref_slice %arg4[%add3A_82, %dma_wait3A_87] : memref<16384x1024xf32, #tpu.memory_space<hbm>> -> memref<16x1024xf32, #tpu.memory_space<hbm>>
    %dma_wait3A_89 = arith.constant 0 : i32
    %dma_wait3A_90 = tpu.memref_slice %arg4[%add3A_82, %dma_wait3A_89] : memref<16384x1024xf32, #tpu.memory_space<hbm>> -> memref<16x1024xf32, #tpu.memory_space<hbm>>
    tpu.wait_dma2 semaphore(%arg22 : memref<!tpu.dma_semaphore, #tpu.memory_space<semaphore_mem>>) src(%arg8 : memref<16x1024xf32, #tpu.memory_space<vmem>>) dst(%dma_wait3A_90 : memref<16x1024xf32, #tpu.memory_space<hbm>>)
    %dma_start3A_91 = arith.constant 144 : i32
    %dma_start3A_92 = tpu.memref_slice %arg5[%dma_start3A_91] : memref<512xi32, #tpu.memory_space<vmem>> -> memref<16xi32, #tpu.memory_space<vmem>>
    %dma_start3A_93 = arith.constant 0 : i32
    %dma_start3A_94 = arith.constant 0 : i32
    %dma_start3A_95 = tpu.memref_slice %arg2[%dma_start3A_93, %dma_start3A_94] : memref<100000x1024xf32, #tpu.memory_space<hbm>> -> memref<100000x1024xf32, #tpu.memory_space<hbm>>
    tpu.enqueue_indirect_dma source(%dma_start3A_95 : memref<100000x1024xf32, #tpu.memory_space<hbm>>) target(%arg8 : memref<16x1024xf32, #tpu.memory_space<vmem>>) offsets(%dma_start3A_92 : memref<16xi32, #tpu.memory_space<vmem>>) semaphore(%arg15 : memref<!tpu.dma_semaphore, #tpu.memory_space<semaphore_mem>>)
    %dma_wait3A_96 = arith.constant 48 : i32
    %dma_wait3A_97 = tpu.memref_slice %arg5[%dma_wait3A_96] : memref<512xi32, #tpu.memory_space<vmem>> -> memref<16xi32, #tpu.memory_space<vmem>>
    %dma_wait3A_98 = arith.constant 0 : i32
    %dma_wait3A_99 = arith.constant 0 : i32
    %dma_wait3A_100 = tpu.memref_slice %arg2[%dma_wait3A_98, %dma_wait3A_99] : memref<100000x1024xf32, #tpu.memory_space<hbm>> -> memref<100000x1024xf32, #tpu.memory_space<hbm>>
    tpu.wait_indirect_dma semaphore(%arg16 : memref<!tpu.dma_semaphore, #tpu.memory_space<semaphore_mem>>) src(%dma_wait3A_100 : memref<100000x1024xf32, #tpu.memory_space<hbm>>) dst(%arg9 : memref<16x1024xf32, #tpu.memory_space<vmem>>)
    %add3A_101 = arith.constant 48 : i32
    %add3A_102 = arith.addi %mul3A_2, %add3A_101 : i32
    %dma_start3A_103 = arith.constant 0 : i32
    %dma_start3A_104 = tpu.memref_slice %arg4[%add3A_102, %dma_start3A_103] : memref<16384x1024xf32, #tpu.memory_space<hbm>> -> memref<16x1024xf32, #tpu.memory_space<hbm>>
    %dma_start3A_105 = arith.constant 0 : i32
    %dma_start3A_106 = tpu.memref_slice %arg4[%add3A_102, %dma_start3A_105] : memref<16384x1024xf32, #tpu.memory_space<hbm>> -> memref<16x1024xf32, #tpu.memory_space<hbm>>
    tpu.enqueue_dma source(%arg9 : memref<16x1024xf32, #tpu.memory_space<vmem>>) target(%dma_start3A_106 : memref<16x1024xf32, #tpu.memory_space<hbm>>) target_semaphore(%arg23 : memref<!tpu.dma_semaphore, #tpu.memory_space<semaphore_mem>>)
    %dma_wait3A_107 = arith.constant 0 : i32
    %dma_wait3A_108 = tpu.memref_slice %arg4[%add3A_102, %dma_wait3A_107] : memref<16384x1024xf32, #tpu.memory_space<hbm>> -> memref<16x1024xf32, #tpu.memory_space<hbm>>
    %dma_wait3A_109 = arith.constant 0 : i32
    %dma_wait3A_110 = tpu.memref_slice %arg4[%add3A_102, %dma_wait3A_109] : memref<16384x1024xf32, #tpu.memory_space<hbm>> -> memref<16x1024xf32, #tpu.memory_space<hbm>>
    tpu.wait_dma2 semaphore(%arg23 : memref<!tpu.dma_semaphore, #tpu.memory_space<semaphore_mem>>) src(%arg9 : memref<16x1024xf32, #tpu.memory_space<vmem>>) dst(%dma_wait3A_110 : memref<16x1024xf32, #tpu.memory_space<hbm>>)
    %dma_start3A_111 = arith.constant 160 : i32
    %dma_start3A_112 = tpu.memref_slice %arg5[%dma_start3A_111] : memref<512xi32, #tpu.memory_space<vmem>> -> memref<16xi32, #tpu.memory_space<vmem>>
    %dma_start3A_113 = arith.constant 0 : i32
    %dma_start3A_114 = arith.constant 0 : i32
    %dma_start3A_115 = tpu.memref_slice %arg2[%dma_start3A_113, %dma_start3A_114] : memref<100000x1024xf32, #tpu.memory_space<hbm>> -> memref<100000x1024xf32, #tpu.memory_space<hbm>>
    tpu.enqueue_indirect_dma source(%dma_start3A_115 : memref<100000x1024xf32, #tpu.memory_space<hbm>>) target(%arg9 : memref<16x1024xf32, #tpu.memory_space<vmem>>) offsets(%dma_start3A_112 : memref<16xi32, #tpu.memory_space<vmem>>) semaphore(%arg16 : memref<!tpu.dma_semaphore, #tpu.memory_space<semaphore_mem>>)
    %dma_wait3A_116 = arith.constant 64 : i32
    %dma_wait3A_117 = tpu.memref_slice %arg5[%dma_wait3A_116] : memref<512xi32, #tpu.memory_space<vmem>> -> memref<16xi32, #tpu.memory_space<vmem>>
    %dma_wait3A_118 = arith.constant 0 : i32
    %dma_wait3A_119 = arith.constant 0 : i32
    %dma_wait3A_120 = tpu.memref_slice %arg2[%dma_wait3A_118, %dma_wait3A_119] : memref<100000x1024xf32, #tpu.memory_space<hbm>> -> memref<100000x1024xf32, #tpu.memory_space<hbm>>
    tpu.wait_indirect_dma semaphore(%arg17 : memref<!tpu.dma_semaphore, #tpu.memory_space<semaphore_mem>>) src(%dma_wait3A_120 : memref<100000x1024xf32, #tpu.memory_space<hbm>>) dst(%arg10 : memref<16x1024xf32, #tpu.memory_space<vmem>>)
    %add3A_121 = arith.constant 64 : i32
    %add3A_122 = arith.addi %mul3A_2, %add3A_121 : i32
    %dma_start3A_123 = arith.constant 0 : i32
    %dma_start3A_124 = tpu.memref_slice %arg4[%add3A_122, %dma_start3A_123] : memref<16384x1024xf32, #tpu.memory_space<hbm>> -> memref<16x1024xf32, #tpu.memory_space<hbm>>
    %dma_start3A_125 = arith.constant 0 : i32
    %dma_start3A_126 = tpu.memref_slice %arg4[%add3A_122, %dma_start3A_125] : memref<16384x1024xf32, #tpu.memory_space<hbm>> -> memref<16x1024xf32, #tpu.memory_space<hbm>>
    tpu.enqueue_dma source(%arg10 : memref<16x1024xf32, #tpu.memory_space<vmem>>) target(%dma_start3A_126 : memref<16x1024xf32, #tpu.memory_space<hbm>>) target_semaphore(%arg24 : memref<!tpu.dma_semaphore, #tpu.memory_space<semaphore_mem>>)
    %dma_wait3A_127 = arith.constant 0 : i32
    %dma_wait3A_128 = tpu.memref_slice %arg4[%add3A_122, %dma_wait3A_127] : memref<16384x1024xf32, #tpu.memory_space<hbm>> -> memref<16x1024xf32, #tpu.memory_space<hbm>>
    %dma_wait3A_129 = arith.constant 0 : i32
    %dma_wait3A_130 = tpu.memref_slice %arg4[%add3A_122, %dma_wait3A_129] : memref<16384x1024xf32, #tpu.memory_space<hbm>> -> memref<16x1024xf32, #tpu.memory_space<hbm>>
    tpu.wait_dma2 semaphore(%arg24 : memref<!tpu.dma_semaphore, #tpu.memory_space<semaphore_mem>>) src(%arg10 : memref<16x1024xf32, #tpu.memory_space<vmem>>) dst(%dma_wait3A_130 : memref<16x1024xf32, #tpu.memory_space<hbm>>)
    %dma_start3A_131 = arith.constant 176 : i32
    %dma_start3A_132 = tpu.memref_slice %arg5[%dma_start3A_131] : memref<512xi32, #tpu.memory_space<vmem>> -> memref<16xi32, #tpu.memory_space<vmem>>
    %dma_start3A_133 = arith.constant 0 : i32
    %dma_start3A_134 = arith.constant 0 : i32
    %dma_start3A_135 = tpu.memref_slice %arg2[%dma_start3A_133, %dma_start3A_134] : memref<100000x1024xf32, #tpu.memory_space<hbm>> -> memref<100000x1024xf32, #tpu.memory_space<hbm>>
    tpu.enqueue_indirect_dma source(%dma_start3A_135 : memref<100000x1024xf32, #tpu.memory_space<hbm>>) target(%arg10 : memref<16x1024xf32, #tpu.memory_space<vmem>>) offsets(%dma_start3A_132 : memref<16xi32, #tpu.memory_space<vmem>>) semaphore(%arg17 : memref<!tpu.dma_semaphore, #tpu.memory_space<semaphore_mem>>)
    %dma_wait3A_136 = arith.constant 80 : i32
    %dma_wait3A_137 = tpu.memref_slice %arg5[%dma_wait3A_136] : memref<512xi32, #tpu.memory_space<vmem>> -> memref<16xi32, #tpu.memory_space<vmem>>
    %dma_wait3A_138 = arith.constant 0 : i32
    %dma_wait3A_139 = arith.constant 0 : i32
    %dma_wait3A_140 = tpu.memref_slice %arg2[%dma_wait3A_138, %dma_wait3A_139] : memref<100000x1024xf32, #tpu.memory_space<hbm>> -> memref<100000x1024xf32, #tpu.memory_space<hbm>>
    tpu.wait_indirect_dma semaphore(%arg18 : memref<!tpu.dma_semaphore, #tpu.memory_space<semaphore_mem>>) src(%dma_wait3A_140 : memref<100000x1024xf32, #tpu.memory_space<hbm>>) dst(%arg11 : memref<16x1024xf32, #tpu.memory_space<vmem>>)
    %add3A_141 = arith.constant 80 : i32
    %add3A_142 = arith.addi %mul3A_2, %add3A_141 : i32
    %dma_start3A_143 = arith.constant 0 : i32
    %dma_start3A_144 = tpu.memref_slice %arg4[%add3A_142, %dma_start3A_143] : memref<16384x1024xf32, #tpu.memory_space<hbm>> -> memref<16x1024xf32, #tpu.memory_space<hbm>>
    %dma_start3A_145 = arith.constant 0 : i32
    %dma_start3A_146 = tpu.memref_slice %arg4[%add3A_142, %dma_start3A_145] : memref<16384x1024xf32, #tpu.memory_space<hbm>> -> memref<16x1024xf32, #tpu.memory_space<hbm>>
    tpu.enqueue_dma source(%arg11 : memref<16x1024xf32, #tpu.memory_space<vmem>>) target(%dma_start3A_146 : memref<16x1024xf32, #tpu.memory_space<hbm>>) target_semaphore(%arg25 : memref<!tpu.dma_semaphore, #tpu.memory_space<semaphore_mem>>)
    %dma_wait3A_147 = arith.constant 0 : i32
    %dma_wait3A_148 = tpu.memref_slice %arg4[%add3A_142, %dma_wait3A_147] : memref<16384x1024xf32, #tpu.memory_space<hbm>> -> memref<16x1024xf32, #tpu.memory_space<hbm>>
    %dma_wait3A_149 = arith.constant 0 : i32
    %dma_wait3A_150 = tpu.memref_slice %arg4[%add3A_142, %dma_wait3A_149] : memref<16384x1024xf32, #tpu.memory_space<hbm>> -> memref<16x1024xf32, #tpu.memory_space<hbm>>
    tpu.wait_dma2 semaphore(%arg25 : memref<!tpu.dma_semaphore, #tpu.memory_space<semaphore_mem>>) src(%arg11 : memref<16x1024xf32, #tpu.memory_space<vmem>>) dst(%dma_wait3A_150 : memref<16x1024xf32, #tpu.memory_space<hbm>>)
    %dma_start3A_151 = arith.constant 192 : i32
    %dma_start3A_152 = tpu.memref_slice %arg5[%dma_start3A_151] : memref<512xi32, #tpu.memory_space<vmem>> -> memref<16xi32, #tpu.memory_space<vmem>>
    %dma_start3A_153 = arith.constant 0 : i32
    %dma_start3A_154 = arith.constant 0 : i32
    %dma_start3A_155 = tpu.memref_slice %arg2[%dma_start3A_153, %dma_start3A_154] : memref<100000x1024xf32, #tpu.memory_space<hbm>> -> memref<100000x1024xf32, #tpu.memory_space<hbm>>
    tpu.enqueue_indirect_dma source(%dma_start3A_155 : memref<100000x1024xf32, #tpu.memory_space<hbm>>) target(%arg11 : memref<16x1024xf32, #tpu.memory_space<vmem>>) offsets(%dma_start3A_152 : memref<16xi32, #tpu.memory_space<vmem>>) semaphore(%arg18 : memref<!tpu.dma_semaphore, #tpu.memory_space<semaphore_mem>>)
    %dma_wait3A_156 = arith.constant 96 : i32
    %dma_wait3A_157 = tpu.memref_slice %arg5[%dma_wait3A_156] : memref<512xi32, #tpu.memory_space<vmem>> -> memref<16xi32, #tpu.memory_space<vmem>>
    %dma_wait3A_158 = arith.constant 0 : i32
    %dma_wait3A_159 = arith.constant 0 : i32
    %dma_wait3A_160 = tpu.memref_slice %arg2[%dma_wait3A_158, %dma_wait3A_159] : memref<100000x1024xf32, #tpu.memory_space<hbm>> -> memref<100000x1024xf32, #tpu.memory_space<hbm>>
    tpu.wait_indirect_dma semaphore(%arg19 : memref<!tpu.dma_semaphore, #tpu.memory_space<semaphore_mem>>) src(%dma_wait3A_160 : memref<100000x1024xf32, #tpu.memory_space<hbm>>) dst(%arg12 : memref<16x1024xf32, #tpu.memory_space<vmem>>)
    %add3A_161 = arith.constant 96 : i32
    %add3A_162 = arith.addi %mul3A_2, %add3A_161 : i32
    %dma_start3A_163 = arith.constant 0 : i32
    %dma_start3A_164 = tpu.memref_slice %arg4[%add3A_162, %dma_start3A_163] : memref<16384x1024xf32, #tpu.memory_space<hbm>> -> memref<16x1024xf32, #tpu.memory_space<hbm>>
    %dma_start3A_165 = arith.constant 0 : i32
    %dma_start3A_166 = tpu.memref_slice %arg4[%add3A_162, %dma_start3A_165] : memref<16384x1024xf32, #tpu.memory_space<hbm>> -> memref<16x1024xf32, #tpu.memory_space<hbm>>
    tpu.enqueue_dma source(%arg12 : memref<16x1024xf32, #tpu.memory_space<vmem>>) target(%dma_start3A_166 : memref<16x1024xf32, #tpu.memory_space<hbm>>) target_semaphore(%arg26 : memref<!tpu.dma_semaphore, #tpu.memory_space<semaphore_mem>>)
    %dma_wait3A_167 = arith.constant 0 : i32
    %dma_wait3A_168 = tpu.memref_slice %arg4[%add3A_162, %dma_wait3A_167] : memref<16384x1024xf32, #tpu.memory_space<hbm>> -> memref<16x1024xf32, #tpu.memory_space<hbm>>
    %dma_wait3A_169 = arith.constant 0 : i32
    %dma_wait3A_170 = tpu.memref_slice %arg4[%add3A_162, %dma_wait3A_169] : memref<16384x1024xf32, #tpu.memory_space<hbm>> -> memref<16x1024xf32, #tpu.memory_space<hbm>>
    tpu.wait_dma2 semaphore(%arg26 : memref<!tpu.dma_semaphore, #tpu.memory_space<semaphore_mem>>) src(%arg12 : memref<16x1024xf32, #tpu.memory_space<vmem>>) dst(%dma_wait3A_170 : memref<16x1024xf32, #tpu.memory_space<hbm>>)
    %dma_start3A_171 = arith.constant 208 : i32
    %dma_start3A_172 = tpu.memref_slice %arg5[%dma_start3A_171] : memref<512xi32, #tpu.memory_space<vmem>> -> memref<16xi32, #tpu.memory_space<vmem>>
    %dma_start3A_173 = arith.constant 0 : i32
    %dma_start3A_174 = arith.constant 0 : i32
    %dma_start3A_175 = tpu.memref_slice %arg2[%dma_start3A_173, %dma_start3A_174] : memref<100000x1024xf32, #tpu.memory_space<hbm>> -> memref<100000x1024xf32, #tpu.memory_space<hbm>>
    tpu.enqueue_indirect_dma source(%dma_start3A_175 : memref<100000x1024xf32, #tpu.memory_space<hbm>>) target(%arg12 : memref<16x1024xf32, #tpu.memory_space<vmem>>) offsets(%dma_start3A_172 : memref<16xi32, #tpu.memory_space<vmem>>) semaphore(%arg19 : memref<!tpu.dma_semaphore, #tpu.memory_space<semaphore_mem>>)
    %dma_wait3A_176 = arith.constant 112 : i32
    %dma_wait3A_177 = tpu.memref_slice %arg5[%dma_wait3A_176] : memref<512xi32, #tpu.memory_space<vmem>> -> memref<16xi32, #tpu.memory_space<vmem>>
    %dma_wait3A_178 = arith.constant 0 : i32
    %dma_wait3A_179 = arith.constant 0 : i32
    %dma_wait3A_180 = tpu.memref_slice %arg2[%dma_wait3A_178, %dma_wait3A_179] : memref<100000x1024xf32, #tpu.memory_space<hbm>> -> memref<100000x1024xf32, #tpu.memory_space<hbm>>
    tpu.wait_indirect_dma semaphore(%arg13 : memref<!tpu.dma_semaphore, #tpu.memory_space<semaphore_mem>>) src(%dma_wait3A_180 : memref<100000x1024xf32, #tpu.memory_space<hbm>>) dst(%arg6 : memref<16x1024xf32, #tpu.memory_space<vmem>>)
    %add3A_181 = arith.constant 112 : i32
    %add3A_182 = arith.addi %mul3A_2, %add3A_181 : i32
    %dma_start3A_183 = arith.constant 0 : i32
    %dma_start3A_184 = tpu.memref_slice %arg4[%add3A_182, %dma_start3A_183] : memref<16384x1024xf32, #tpu.memory_space<hbm>> -> memref<16x1024xf32, #tpu.memory_space<hbm>>
    %dma_start3A_185 = arith.constant 0 : i32
    %dma_start3A_186 = tpu.memref_slice %arg4[%add3A_182, %dma_start3A_185] : memref<16384x1024xf32, #tpu.memory_space<hbm>> -> memref<16x1024xf32, #tpu.memory_space<hbm>>
    tpu.enqueue_dma source(%arg6 : memref<16x1024xf32, #tpu.memory_space<vmem>>) target(%dma_start3A_186 : memref<16x1024xf32, #tpu.memory_space<hbm>>) target_semaphore(%arg20 : memref<!tpu.dma_semaphore, #tpu.memory_space<semaphore_mem>>)
    %dma_wait3A_187 = arith.constant 0 : i32
    %dma_wait3A_188 = tpu.memref_slice %arg4[%add3A_182, %dma_wait3A_187] : memref<16384x1024xf32, #tpu.memory_space<hbm>> -> memref<16x1024xf32, #tpu.memory_space<hbm>>
    %dma_wait3A_189 = arith.constant 0 : i32
    %dma_wait3A_190 = tpu.memref_slice %arg4[%add3A_182, %dma_wait3A_189] : memref<16384x1024xf32, #tpu.memory_space<hbm>> -> memref<16x1024xf32, #tpu.memory_space<hbm>>
    tpu.wait_dma2 semaphore(%arg20 : memref<!tpu.dma_semaphore, #tpu.memory_space<semaphore_mem>>) src(%arg6 : memref<16x1024xf32, #tpu.memory_space<vmem>>) dst(%dma_wait3A_190 : memref<16x1024xf32, #tpu.memory_space<hbm>>)
    %dma_start3A_191 = arith.constant 224 : i32
    %dma_start3A_192 = tpu.memref_slice %arg5[%dma_start3A_191] : memref<512xi32, #tpu.memory_space<vmem>> -> memref<16xi32, #tpu.memory_space<vmem>>
    %dma_start3A_193 = arith.constant 0 : i32
    %dma_start3A_194 = arith.constant 0 : i32
    %dma_start3A_195 = tpu.memref_slice %arg2[%dma_start3A_193, %dma_start3A_194] : memref<100000x1024xf32, #tpu.memory_space<hbm>> -> memref<100000x1024xf32, #tpu.memory_space<hbm>>
    tpu.enqueue_indirect_dma source(%dma_start3A_195 : memref<100000x1024xf32, #tpu.memory_space<hbm>>) target(%arg6 : memref<16x1024xf32, #tpu.memory_space<vmem>>) offsets(%dma_start3A_192 : memref<16xi32, #tpu.memory_space<vmem>>) semaphore(%arg13 : memref<!tpu.dma_semaphore, #tpu.memory_space<semaphore_mem>>)
    %dma_wait3A_196 = arith.constant 128 : i32
    %dma_wait3A_197 = tpu.memref_slice %arg5[%dma_wait3A_196] : memref<512xi32, #tpu.memory_space<vmem>> -> memref<16xi32, #tpu.memory_space<vmem>>
    %dma_wait3A_198 = arith.constant 0 : i32
    %dma_wait3A_199 = arith.constant 0 : i32
    %dma_wait3A_200 = tpu.memref_slice %arg2[%dma_wait3A_198, %dma_wait3A_199] : memref<100000x1024xf32, #tpu.memory_space<hbm>> -> memref<100000x1024xf32, #tpu.memory_space<hbm>>
    tpu.wait_indirect_dma semaphore(%arg14 : memref<!tpu.dma_semaphore, #tpu.memory_space<semaphore_mem>>) src(%dma_wait3A_200 : memref<100000x1024xf32, #tpu.memory_space<hbm>>) dst(%arg7 : memref<16x1024xf32, #tpu.memory_space<vmem>>)
    %add3A_201 = arith.constant 128 : i32
    %add3A_202 = arith.addi %mul3A_2, %add3A_201 : i32
    %dma_start3A_203 = arith.constant 0 : i32
    %dma_start3A_204 = tpu.memref_slice %arg4[%add3A_202, %dma_start3A_203] : memref<16384x1024xf32, #tpu.memory_space<hbm>> -> memref<16x1024xf32, #tpu.memory_space<hbm>>
    %dma_start3A_205 = arith.constant 0 : i32
    %dma_start3A_206 = tpu.memref_slice %arg4[%add3A_202, %dma_start3A_205] : memref<16384x1024xf32, #tpu.memory_space<hbm>> -> memref<16x1024xf32, #tpu.memory_space<hbm>>
    tpu.enqueue_dma source(%arg7 : memref<16x1024xf32, #tpu.memory_space<vmem>>) target(%dma_start3A_206 : memref<16x1024xf32, #tpu.memory_space<hbm>>) target_semaphore(%arg21 : memref<!tpu.dma_semaphore, #tpu.memory_space<semaphore_mem>>)
    %dma_wait3A_207 = arith.constant 0 : i32
    %dma_wait3A_208 = tpu.memref_slice %arg4[%add3A_202, %dma_wait3A_207] : memref<16384x1024xf32, #tpu.memory_space<hbm>> -> memref<16x1024xf32, #tpu.memory_space<hbm>>
    %dma_wait3A_209 = arith.constant 0 : i32
    %dma_wait3A_210 = tpu.memref_slice %arg4[%add3A_202, %dma_wait3A_209] : memref<16384x1024xf32, #tpu.memory_space<hbm>> -> memref<16x1024xf32, #tpu.memory_space<hbm>>
    tpu.wait_dma2 semaphore(%arg21 : memref<!tpu.dma_semaphore, #tpu.memory_space<semaphore_mem>>) src(%arg7 : memref<16x1024xf32, #tpu.memory_space<vmem>>) dst(%dma_wait3A_210 : memref<16x1024xf32, #tpu.memory_space<hbm>>)
    %dma_start3A_211 = arith.constant 240 : i32
    %dma_start3A_212 = tpu.memref_slice %arg5[%dma_start3A_211] : memref<512xi32, #tpu.memory_space<vmem>> -> memref<16xi32, #tpu.memory_space<vmem>>
    %dma_start3A_213 = arith.constant 0 : i32
    %dma_start3A_214 = arith.constant 0 : i32
    %dma_start3A_215 = tpu.memref_slice %arg2[%dma_start3A_213, %dma_start3A_214] : memref<100000x1024xf32, #tpu.memory_space<hbm>> -> memref<100000x1024xf32, #tpu.memory_space<hbm>>
    tpu.enqueue_indirect_dma source(%dma_start3A_215 : memref<100000x1024xf32, #tpu.memory_space<hbm>>) target(%arg7 : memref<16x1024xf32, #tpu.memory_space<vmem>>) offsets(%dma_start3A_212 : memref<16xi32, #tpu.memory_space<vmem>>) semaphore(%arg14 : memref<!tpu.dma_semaphore, #tpu.memory_space<semaphore_mem>>)
    %dma_wait3A_216 = arith.constant 144 : i32
    %dma_wait3A_217 = tpu.memref_slice %arg5[%dma_wait3A_216] : memref<512xi32, #tpu.memory_space<vmem>> -> memref<16xi32, #tpu.memory_space<vmem>>
    %dma_wait3A_218 = arith.constant 0 : i32
    %dma_wait3A_219 = arith.constant 0 : i32
    %dma_wait3A_220 = tpu.memref_slice %arg2[%dma_wait3A_218, %dma_wait3A_219] : memref<100000x1024xf32, #tpu.memory_space<hbm>> -> memref<100000x1024xf32, #tpu.memory_space<hbm>>
    tpu.wait_indirect_dma semaphore(%arg15 : memref<!tpu.dma_semaphore, #tpu.memory_space<semaphore_mem>>) src(%dma_wait3A_220 : memref<100000x1024xf32, #tpu.memory_space<hbm>>) dst(%arg8 : memref<16x1024xf32, #tpu.memory_space<vmem>>)
    %add3A_221 = arith.constant 144 : i32
    %add3A_222 = arith.addi %mul3A_2, %add3A_221 : i32
    %dma_start3A_223 = arith.constant 0 : i32
    %dma_start3A_224 = tpu.memref_slice %arg4[%add3A_222, %dma_start3A_223] : memref<16384x1024xf32, #tpu.memory_space<hbm>> -> memref<16x1024xf32, #tpu.memory_space<hbm>>
    %dma_start3A_225 = arith.constant 0 : i32
    %dma_start3A_226 = tpu.memref_slice %arg4[%add3A_222, %dma_start3A_225] : memref<16384x1024xf32, #tpu.memory_space<hbm>> -> memref<16x1024xf32, #tpu.memory_space<hbm>>
    tpu.enqueue_dma source(%arg8 : memref<16x1024xf32, #tpu.memory_space<vmem>>) target(%dma_start3A_226 : memref<16x1024xf32, #tpu.memory_space<hbm>>) target_semaphore(%arg22 : memref<!tpu.dma_semaphore, #tpu.memory_space<semaphore_mem>>)
    %dma_wait3A_227 = arith.constant 0 : i32
    %dma_wait3A_228 = tpu.memref_slice %arg4[%add3A_222, %dma_wait3A_227] : memref<16384x1024xf32, #tpu.memory_space<hbm>> -> memref<16x1024xf32, #tpu.memory_space<hbm>>
    %dma_wait3A_229 = arith.constant 0 : i32
    %dma_wait3A_230 = tpu.memref_slice %arg4[%add3A_222, %dma_wait3A_229] : memref<16384x1024xf32, #tpu.memory_space<hbm>> -> memref<16x1024xf32, #tpu.memory_space<hbm>>
    tpu.wait_dma2 semaphore(%arg22 : memref<!tpu.dma_semaphore, #tpu.memory_space<semaphore_mem>>) src(%arg8 : memref<16x1024xf32, #tpu.memory_space<vmem>>) dst(%dma_wait3A_230 : memref<16x1024xf32, #tpu.memory_space<hbm>>)
    %dma_start3A_231 = arith.constant 256 : i32
    %dma_start3A_232 = tpu.memref_slice %arg5[%dma_start3A_231] : memref<512xi32, #tpu.memory_space<vmem>> -> memref<16xi32, #tpu.memory_space<vmem>>
    %dma_start3A_233 = arith.constant 0 : i32
    %dma_start3A_234 = arith.constant 0 : i32
    %dma_start3A_235 = tpu.memref_slice %arg2[%dma_start3A_233, %dma_start3A_234] : memref<100000x1024xf32, #tpu.memory_space<hbm>> -> memref<100000x1024xf32, #tpu.memory_space<hbm>>
    tpu.enqueue_indirect_dma source(%dma_start3A_235 : memref<100000x1024xf32, #tpu.memory_space<hbm>>) target(%arg8 : memref<16x1024xf32, #tpu.memory_space<vmem>>) offsets(%dma_start3A_232 : memref<16xi32, #tpu.memory_space<vmem>>) semaphore(%arg15 : memref<!tpu.dma_semaphore, #tpu.memory_space<semaphore_mem>>)
    %dma_wait3A_236 = arith.constant 160 : i32
    %dma_wait3A_237 = tpu.memref_slice %arg5[%dma_wait3A_236] : memref<512xi32, #tpu.memory_space<vmem>> -> memref<16xi32, #tpu.memory_space<vmem>>
    %dma_wait3A_238 = arith.constant 0 : i32
    %dma_wait3A_239 = arith.constant 0 : i32
    %dma_wait3A_240 = tpu.memref_slice %arg2[%dma_wait3A_238, %dma_wait3A_239] : memref<100000x1024xf32, #tpu.memory_space<hbm>> -> memref<100000x1024xf32, #tpu.memory_space<hbm>>
    tpu.wait_indirect_dma semaphore(%arg16 : memref<!tpu.dma_semaphore, #tpu.memory_space<semaphore_mem>>) src(%dma_wait3A_240 : memref<100000x1024xf32, #tpu.memory_space<hbm>>) dst(%arg9 : memref<16x1024xf32, #tpu.memory_space<vmem>>)
    %add3A_241 = arith.constant 160 : i32
    %add3A_242 = arith.addi %mul3A_2, %add3A_241 : i32
    %dma_start3A_243 = arith.constant 0 : i32
    %dma_start3A_244 = tpu.memref_slice %arg4[%add3A_242, %dma_start3A_243] : memref<16384x1024xf32, #tpu.memory_space<hbm>> -> memref<16x1024xf32, #tpu.memory_space<hbm>>
    %dma_start3A_245 = arith.constant 0 : i32
    %dma_start3A_246 = tpu.memref_slice %arg4[%add3A_242, %dma_start3A_245] : memref<16384x1024xf32, #tpu.memory_space<hbm>> -> memref<16x1024xf32, #tpu.memory_space<hbm>>
    tpu.enqueue_dma source(%arg9 : memref<16x1024xf32, #tpu.memory_space<vmem>>) target(%dma_start3A_246 : memref<16x1024xf32, #tpu.memory_space<hbm>>) target_semaphore(%arg23 : memref<!tpu.dma_semaphore, #tpu.memory_space<semaphore_mem>>)
    %dma_wait3A_247 = arith.constant 0 : i32
    %dma_wait3A_248 = tpu.memref_slice %arg4[%add3A_242, %dma_wait3A_247] : memref<16384x1024xf32, #tpu.memory_space<hbm>> -> memref<16x1024xf32, #tpu.memory_space<hbm>>
    %dma_wait3A_249 = arith.constant 0 : i32
    %dma_wait3A_250 = tpu.memref_slice %arg4[%add3A_242, %dma_wait3A_249] : memref<16384x1024xf32, #tpu.memory_space<hbm>> -> memref<16x1024xf32, #tpu.memory_space<hbm>>
    tpu.wait_dma2 semaphore(%arg23 : memref<!tpu.dma_semaphore, #tpu.memory_space<semaphore_mem>>) src(%arg9 : memref<16x1024xf32, #tpu.memory_space<vmem>>) dst(%dma_wait3A_250 : memref<16x1024xf32, #tpu.memory_space<hbm>>)
    %dma_start3A_251 = arith.constant 272 : i32
    %dma_start3A_252 = tpu.memref_slice %arg5[%dma_start3A_251] : memref<512xi32, #tpu.memory_space<vmem>> -> memref<16xi32, #tpu.memory_space<vmem>>
    %dma_start3A_253 = arith.constant 0 : i32
    %dma_start3A_254 = arith.constant 0 : i32
    %dma_start3A_255 = tpu.memref_slice %arg2[%dma_start3A_253, %dma_start3A_254] : memref<100000x1024xf32, #tpu.memory_space<hbm>> -> memref<100000x1024xf32, #tpu.memory_space<hbm>>
    tpu.enqueue_indirect_dma source(%dma_start3A_255 : memref<100000x1024xf32, #tpu.memory_space<hbm>>) target(%arg9 : memref<16x1024xf32, #tpu.memory_space<vmem>>) offsets(%dma_start3A_252 : memref<16xi32, #tpu.memory_space<vmem>>) semaphore(%arg16 : memref<!tpu.dma_semaphore, #tpu.memory_space<semaphore_mem>>)
    %dma_wait3A_256 = arith.constant 176 : i32
    %dma_wait3A_257 = tpu.memref_slice %arg5[%dma_wait3A_256] : memref<512xi32, #tpu.memory_space<vmem>> -> memref<16xi32, #tpu.memory_space<vmem>>
    %dma_wait3A_258 = arith.constant 0 : i32
    %dma_wait3A_259 = arith.constant 0 : i32
    %dma_wait3A_260 = tpu.memref_slice %arg2[%dma_wait3A_258, %dma_wait3A_259] : memref<100000x1024xf32, #tpu.memory_space<hbm>> -> memref<100000x1024xf32, #tpu.memory_space<hbm>>
    tpu.wait_indirect_dma semaphore(%arg17 : memref<!tpu.dma_semaphore, #tpu.memory_space<semaphore_mem>>) src(%dma_wait3A_260 : memref<100000x1024xf32, #tpu.memory_space<hbm>>) dst(%arg10 : memref<16x1024xf32, #tpu.memory_space<vmem>>)
    %add3A_261 = arith.constant 176 : i32
    %add3A_262 = arith.addi %mul3A_2, %add3A_261 : i32
    %dma_start3A_263 = arith.constant 0 : i32
    %dma_start3A_264 = tpu.memref_slice %arg4[%add3A_262, %dma_start3A_263] : memref<16384x1024xf32, #tpu.memory_space<hbm>> -> memref<16x1024xf32, #tpu.memory_space<hbm>>
    %dma_start3A_265 = arith.constant 0 : i32
    %dma_start3A_266 = tpu.memref_slice %arg4[%add3A_262, %dma_start3A_265] : memref<16384x1024xf32, #tpu.memory_space<hbm>> -> memref<16x1024xf32, #tpu.memory_space<hbm>>
    tpu.enqueue_dma source(%arg10 : memref<16x1024xf32, #tpu.memory_space<vmem>>) target(%dma_start3A_266 : memref<16x1024xf32, #tpu.memory_space<hbm>>) target_semaphore(%arg24 : memref<!tpu.dma_semaphore, #tpu.memory_space<semaphore_mem>>)
    %dma_wait3A_267 = arith.constant 0 : i32
    %dma_wait3A_268 = tpu.memref_slice %arg4[%add3A_262, %dma_wait3A_267] : memref<16384x1024xf32, #tpu.memory_space<hbm>> -> memref<16x1024xf32, #tpu.memory_space<hbm>>
    %dma_wait3A_269 = arith.constant 0 : i32
    %dma_wait3A_270 = tpu.memref_slice %arg4[%add3A_262, %dma_wait3A_269] : memref<16384x1024xf32, #tpu.memory_space<hbm>> -> memref<16x1024xf32, #tpu.memory_space<hbm>>
    tpu.wait_dma2 semaphore(%arg24 : memref<!tpu.dma_semaphore, #tpu.memory_space<semaphore_mem>>) src(%arg10 : memref<16x1024xf32, #tpu.memory_space<vmem>>) dst(%dma_wait3A_270 : memref<16x1024xf32, #tpu.memory_space<hbm>>)
    %dma_start3A_271 = arith.constant 288 : i32
    %dma_start3A_272 = tpu.memref_slice %arg5[%dma_start3A_271] : memref<512xi32, #tpu.memory_space<vmem>> -> memref<16xi32, #tpu.memory_space<vmem>>
    %dma_start3A_273 = arith.constant 0 : i32
    %dma_start3A_274 = arith.constant 0 : i32
    %dma_start3A_275 = tpu.memref_slice %arg2[%dma_start3A_273, %dma_start3A_274] : memref<100000x1024xf32, #tpu.memory_space<hbm>> -> memref<100000x1024xf32, #tpu.memory_space<hbm>>
    tpu.enqueue_indirect_dma source(%dma_start3A_275 : memref<100000x1024xf32, #tpu.memory_space<hbm>>) target(%arg10 : memref<16x1024xf32, #tpu.memory_space<vmem>>) offsets(%dma_start3A_272 : memref<16xi32, #tpu.memory_space<vmem>>) semaphore(%arg17 : memref<!tpu.dma_semaphore, #tpu.memory_space<semaphore_mem>>)
    %dma_wait3A_276 = arith.constant 192 : i32
    %dma_wait3A_277 = tpu.memref_slice %arg5[%dma_wait3A_276] : memref<512xi32, #tpu.memory_space<vmem>> -> memref<16xi32, #tpu.memory_space<vmem>>
    %dma_wait3A_278 = arith.constant 0 : i32
    %dma_wait3A_279 = arith.constant 0 : i32
    %dma_wait3A_280 = tpu.memref_slice %arg2[%dma_wait3A_278, %dma_wait3A_279] : memref<100000x1024xf32, #tpu.memory_space<hbm>> -> memref<100000x1024xf32, #tpu.memory_space<hbm>>
    tpu.wait_indirect_dma semaphore(%arg18 : memref<!tpu.dma_semaphore, #tpu.memory_space<semaphore_mem>>) src(%dma_wait3A_280 : memref<100000x1024xf32, #tpu.memory_space<hbm>>) dst(%arg11 : memref<16x1024xf32, #tpu.memory_space<vmem>>)
    %add3A_281 = arith.constant 192 : i32
    %add3A_282 = arith.addi %mul3A_2, %add3A_281 : i32
    %dma_start3A_283 = arith.constant 0 : i32
    %dma_start3A_284 = tpu.memref_slice %arg4[%add3A_282, %dma_start3A_283] : memref<16384x1024xf32, #tpu.memory_space<hbm>> -> memref<16x1024xf32, #tpu.memory_space<hbm>>
    %dma_start3A_285 = arith.constant 0 : i32
    %dma_start3A_286 = tpu.memref_slice %arg4[%add3A_282, %dma_start3A_285] : memref<16384x1024xf32, #tpu.memory_space<hbm>> -> memref<16x1024xf32, #tpu.memory_space<hbm>>
    tpu.enqueue_dma source(%arg11 : memref<16x1024xf32, #tpu.memory_space<vmem>>) target(%dma_start3A_286 : memref<16x1024xf32, #tpu.memory_space<hbm>>) target_semaphore(%arg25 : memref<!tpu.dma_semaphore, #tpu.memory_space<semaphore_mem>>)
    %dma_wait3A_287 = arith.constant 0 : i32
    %dma_wait3A_288 = tpu.memref_slice %arg4[%add3A_282, %dma_wait3A_287] : memref<16384x1024xf32, #tpu.memory_space<hbm>> -> memref<16x1024xf32, #tpu.memory_space<hbm>>
    %dma_wait3A_289 = arith.constant 0 : i32
    %dma_wait3A_290 = tpu.memref_slice %arg4[%add3A_282, %dma_wait3A_289] : memref<16384x1024xf32, #tpu.memory_space<hbm>> -> memref<16x1024xf32, #tpu.memory_space<hbm>>
    tpu.wait_dma2 semaphore(%arg25 : memref<!tpu.dma_semaphore, #tpu.memory_space<semaphore_mem>>) src(%arg11 : memref<16x1024xf32, #tpu.memory_space<vmem>>) dst(%dma_wait3A_290 : memref<16x1024xf32, #tpu.memory_space<hbm>>)
    %dma_start3A_291 = arith.constant 304 : i32
    %dma_start3A_292 = tpu.memref_slice %arg5[%dma_start3A_291] : memref<512xi32, #tpu.memory_space<vmem>> -> memref<16xi32, #tpu.memory_space<vmem>>
    %dma_start3A_293 = arith.constant 0 : i32
    %dma_start3A_294 = arith.constant 0 : i32
    %dma_start3A_295 = tpu.memref_slice %arg2[%dma_start3A_293, %dma_start3A_294] : memref<100000x1024xf32, #tpu.memory_space<hbm>> -> memref<100000x1024xf32, #tpu.memory_space<hbm>>
    tpu.enqueue_indirect_dma source(%dma_start3A_295 : memref<100000x1024xf32, #tpu.memory_space<hbm>>) target(%arg11 : memref<16x1024xf32, #tpu.memory_space<vmem>>) offsets(%dma_start3A_292 : memref<16xi32, #tpu.memory_space<vmem>>) semaphore(%arg18 : memref<!tpu.dma_semaphore, #tpu.memory_space<semaphore_mem>>)
    %dma_wait3A_296 = arith.constant 208 : i32
    %dma_wait3A_297 = tpu.memref_slice %arg5[%dma_wait3A_296] : memref<512xi32, #tpu.memory_space<vmem>> -> memref<16xi32, #tpu.memory_space<vmem>>
    %dma_wait3A_298 = arith.constant 0 : i32
    %dma_wait3A_299 = arith.constant 0 : i32
    %dma_wait3A_300 = tpu.memref_slice %arg2[%dma_wait3A_298, %dma_wait3A_299] : memref<100000x1024xf32, #tpu.memory_space<hbm>> -> memref<100000x1024xf32, #tpu.memory_space<hbm>>
    tpu.wait_indirect_dma semaphore(%arg19 : memref<!tpu.dma_semaphore, #tpu.memory_space<semaphore_mem>>) src(%dma_wait3A_300 : memref<100000x1024xf32, #tpu.memory_space<hbm>>) dst(%arg12 : memref<16x1024xf32, #tpu.memory_space<vmem>>)
    %add3A_301 = arith.constant 208 : i32
    %add3A_302 = arith.addi %mul3A_2, %add3A_301 : i32
    %dma_start3A_303 = arith.constant 0 : i32
    %dma_start3A_304 = tpu.memref_slice %arg4[%add3A_302, %dma_start3A_303] : memref<16384x1024xf32, #tpu.memory_space<hbm>> -> memref<16x1024xf32, #tpu.memory_space<hbm>>
    %dma_start3A_305 = arith.constant 0 : i32
    %dma_start3A_306 = tpu.memref_slice %arg4[%add3A_302, %dma_start3A_305] : memref<16384x1024xf32, #tpu.memory_space<hbm>> -> memref<16x1024xf32, #tpu.memory_space<hbm>>
    tpu.enqueue_dma source(%arg12 : memref<16x1024xf32, #tpu.memory_space<vmem>>) target(%dma_start3A_306 : memref<16x1024xf32, #tpu.memory_space<hbm>>) target_semaphore(%arg26 : memref<!tpu.dma_semaphore, #tpu.memory_space<semaphore_mem>>)
    %dma_wait3A_307 = arith.constant 0 : i32
    %dma_wait3A_308 = tpu.memref_slice %arg4[%add3A_302, %dma_wait3A_307] : memref<16384x1024xf32, #tpu.memory_space<hbm>> -> memref<16x1024xf32, #tpu.memory_space<hbm>>
    %dma_wait3A_309 = arith.constant 0 : i32
    %dma_wait3A_310 = tpu.memref_slice %arg4[%add3A_302, %dma_wait3A_309] : memref<16384x1024xf32, #tpu.memory_space<hbm>> -> memref<16x1024xf32, #tpu.memory_space<hbm>>
    tpu.wait_dma2 semaphore(%arg26 : memref<!tpu.dma_semaphore, #tpu.memory_space<semaphore_mem>>) src(%arg12 : memref<16x1024xf32, #tpu.memory_space<vmem>>) dst(%dma_wait3A_310 : memref<16x1024xf32, #tpu.memory_space<hbm>>)
    %dma_start3A_311 = arith.constant 320 : i32
    %dma_start3A_312 = tpu.memref_slice %arg5[%dma_start3A_311] : memref<512xi32, #tpu.memory_space<vmem>> -> memref<16xi32, #tpu.memory_space<vmem>>
    %dma_start3A_313 = arith.constant 0 : i32
    %dma_start3A_314 = arith.constant 0 : i32
    %dma_start3A_315 = tpu.memref_slice %arg2[%dma_start3A_313, %dma_start3A_314] : memref<100000x1024xf32, #tpu.memory_space<hbm>> -> memref<100000x1024xf32, #tpu.memory_space<hbm>>
    tpu.enqueue_indirect_dma source(%dma_start3A_315 : memref<100000x1024xf32, #tpu.memory_space<hbm>>) target(%arg12 : memref<16x1024xf32, #tpu.memory_space<vmem>>) offsets(%dma_start3A_312 : memref<16xi32, #tpu.memory_space<vmem>>) semaphore(%arg19 : memref<!tpu.dma_semaphore, #tpu.memory_space<semaphore_mem>>)
    %dma_wait3A_316 = arith.constant 224 : i32
    %dma_wait3A_317 = tpu.memref_slice %arg5[%dma_wait3A_316] : memref<512xi32, #tpu.memory_space<vmem>> -> memref<16xi32, #tpu.memory_space<vmem>>
    %dma_wait3A_318 = arith.constant 0 : i32
    %dma_wait3A_319 = arith.constant 0 : i32
    %dma_wait3A_320 = tpu.memref_slice %arg2[%dma_wait3A_318, %dma_wait3A_319] : memref<100000x1024xf32, #tpu.memory_space<hbm>> -> memref<100000x1024xf32, #tpu.memory_space<hbm>>
    tpu.wait_indirect_dma semaphore(%arg13 : memref<!tpu.dma_semaphore, #tpu.memory_space<semaphore_mem>>) src(%dma_wait3A_320 : memref<100000x1024xf32, #tpu.memory_space<hbm>>) dst(%arg6 : memref<16x1024xf32, #tpu.memory_space<vmem>>)
    %add3A_321 = arith.constant 224 : i32
    %add3A_322 = arith.addi %mul3A_2, %add3A_321 : i32
    %dma_start3A_323 = arith.constant 0 : i32
    %dma_start3A_324 = tpu.memref_slice %arg4[%add3A_322, %dma_start3A_323] : memref<16384x1024xf32, #tpu.memory_space<hbm>> -> memref<16x1024xf32, #tpu.memory_space<hbm>>
    %dma_start3A_325 = arith.constant 0 : i32
    %dma_start3A_326 = tpu.memref_slice %arg4[%add3A_322, %dma_start3A_325] : memref<16384x1024xf32, #tpu.memory_space<hbm>> -> memref<16x1024xf32, #tpu.memory_space<hbm>>
    tpu.enqueue_dma source(%arg6 : memref<16x1024xf32, #tpu.memory_space<vmem>>) target(%dma_start3A_326 : memref<16x1024xf32, #tpu.memory_space<hbm>>) target_semaphore(%arg20 : memref<!tpu.dma_semaphore, #tpu.memory_space<semaphore_mem>>)
    %dma_wait3A_327 = arith.constant 0 : i32
    %dma_wait3A_328 = tpu.memref_slice %arg4[%add3A_322, %dma_wait3A_327] : memref<16384x1024xf32, #tpu.memory_space<hbm>> -> memref<16x1024xf32, #tpu.memory_space<hbm>>
    %dma_wait3A_329 = arith.constant 0 : i32
    %dma_wait3A_330 = tpu.memref_slice %arg4[%add3A_322, %dma_wait3A_329] : memref<16384x1024xf32, #tpu.memory_space<hbm>> -> memref<16x1024xf32, #tpu.memory_space<hbm>>
    tpu.wait_dma2 semaphore(%arg20 : memref<!tpu.dma_semaphore, #tpu.memory_space<semaphore_mem>>) src(%arg6 : memref<16x1024xf32, #tpu.memory_space<vmem>>) dst(%dma_wait3A_330 : memref<16x1024xf32, #tpu.memory_space<hbm>>)
    %dma_start3A_331 = arith.constant 336 : i32
    %dma_start3A_332 = tpu.memref_slice %arg5[%dma_start3A_331] : memref<512xi32, #tpu.memory_space<vmem>> -> memref<16xi32, #tpu.memory_space<vmem>>
    %dma_start3A_333 = arith.constant 0 : i32
    %dma_start3A_334 = arith.constant 0 : i32
    %dma_start3A_335 = tpu.memref_slice %arg2[%dma_start3A_333, %dma_start3A_334] : memref<100000x1024xf32, #tpu.memory_space<hbm>> -> memref<100000x1024xf32, #tpu.memory_space<hbm>>
    tpu.enqueue_indirect_dma source(%dma_start3A_335 : memref<100000x1024xf32, #tpu.memory_space<hbm>>) target(%arg6 : memref<16x1024xf32, #tpu.memory_space<vmem>>) offsets(%dma_start3A_332 : memref<16xi32, #tpu.memory_space<vmem>>) semaphore(%arg13 : memref<!tpu.dma_semaphore, #tpu.memory_space<semaphore_mem>>)
    %dma_wait3A_336 = arith.constant 240 : i32
    %dma_wait3A_337 = tpu.memref_slice %arg5[%dma_wait3A_336] : memref<512xi32, #tpu.memory_space<vmem>> -> memref<16xi32, #tpu.memory_space<vmem>>
    %dma_wait3A_338 = arith.constant 0 : i32
    %dma_wait3A_339 = arith.constant 0 : i32
    %dma_wait3A_340 = tpu.memref_slice %arg2[%dma_wait3A_338, %dma_wait3A_339] : memref<100000x1024xf32, #tpu.memory_space<hbm>> -> memref<100000x1024xf32, #tpu.memory_space<hbm>>
    tpu.wait_indirect_dma semaphore(%arg14 : memref<!tpu.dma_semaphore, #tpu.memory_space<semaphore_mem>>) src(%dma_wait3A_340 : memref<100000x1024xf32, #tpu.memory_space<hbm>>) dst(%arg7 : memref<16x1024xf32, #tpu.memory_space<vmem>>)
    %add3A_341 = arith.constant 240 : i32
    %add3A_342 = arith.addi %mul3A_2, %add3A_341 : i32
    %dma_start3A_343 = arith.constant 0 : i32
    %dma_start3A_344 = tpu.memref_slice %arg4[%add3A_342, %dma_start3A_343] : memref<16384x1024xf32, #tpu.memory_space<hbm>> -> memref<16x1024xf32, #tpu.memory_space<hbm>>
    %dma_start3A_345 = arith.constant 0 : i32
    %dma_start3A_346 = tpu.memref_slice %arg4[%add3A_342, %dma_start3A_345] : memref<16384x1024xf32, #tpu.memory_space<hbm>> -> memref<16x1024xf32, #tpu.memory_space<hbm>>
    tpu.enqueue_dma source(%arg7 : memref<16x1024xf32, #tpu.memory_space<vmem>>) target(%dma_start3A_346 : memref<16x1024xf32, #tpu.memory_space<hbm>>) target_semaphore(%arg21 : memref<!tpu.dma_semaphore, #tpu.memory_space<semaphore_mem>>)
    %dma_wait3A_347 = arith.constant 0 : i32
    %dma_wait3A_348 = tpu.memref_slice %arg4[%add3A_342, %dma_wait3A_347] : memref<16384x1024xf32, #tpu.memory_space<hbm>> -> memref<16x1024xf32, #tpu.memory_space<hbm>>
    %dma_wait3A_349 = arith.constant 0 : i32
    %dma_wait3A_350 = tpu.memref_slice %arg4[%add3A_342, %dma_wait3A_349] : memref<16384x1024xf32, #tpu.memory_space<hbm>> -> memref<16x1024xf32, #tpu.memory_space<hbm>>
    tpu.wait_dma2 semaphore(%arg21 : memref<!tpu.dma_semaphore, #tpu.memory_space<semaphore_mem>>) src(%arg7 : memref<16x1024xf32, #tpu.memory_space<vmem>>) dst(%dma_wait3A_350 : memref<16x1024xf32, #tpu.memory_space<hbm>>)
    %dma_start3A_351 = arith.constant 352 : i32
    %dma_start3A_352 = tpu.memref_slice %arg5[%dma_start3A_351] : memref<512xi32, #tpu.memory_space<vmem>> -> memref<16xi32, #tpu.memory_space<vmem>>
    %dma_start3A_353 = arith.constant 0 : i32
    %dma_start3A_354 = arith.constant 0 : i32
    %dma_start3A_355 = tpu.memref_slice %arg2[%dma_start3A_353, %dma_start3A_354] : memref<100000x1024xf32, #tpu.memory_space<hbm>> -> memref<100000x1024xf32, #tpu.memory_space<hbm>>
    tpu.enqueue_indirect_dma source(%dma_start3A_355 : memref<100000x1024xf32, #tpu.memory_space<hbm>>) target(%arg7 : memref<16x1024xf32, #tpu.memory_space<vmem>>) offsets(%dma_start3A_352 : memref<16xi32, #tpu.memory_space<vmem>>) semaphore(%arg14 : memref<!tpu.dma_semaphore, #tpu.memory_space<semaphore_mem>>)
    %dma_wait3A_356 = arith.constant 256 : i32
    %dma_wait3A_357 = tpu.memref_slice %arg5[%dma_wait3A_356] : memref<512xi32, #tpu.memory_space<vmem>> -> memref<16xi32, #tpu.memory_space<vmem>>
    %dma_wait3A_358 = arith.constant 0 : i32
    %dma_wait3A_359 = arith.constant 0 : i32
    %dma_wait3A_360 = tpu.memref_slice %arg2[%dma_wait3A_358, %dma_wait3A_359] : memref<100000x1024xf32, #tpu.memory_space<hbm>> -> memref<100000x1024xf32, #tpu.memory_space<hbm>>
    tpu.wait_indirect_dma semaphore(%arg15 : memref<!tpu.dma_semaphore, #tpu.memory_space<semaphore_mem>>) src(%dma_wait3A_360 : memref<100000x1024xf32, #tpu.memory_space<hbm>>) dst(%arg8 : memref<16x1024xf32, #tpu.memory_space<vmem>>)
    %add3A_361 = arith.constant 256 : i32
    %add3A_362 = arith.addi %mul3A_2, %add3A_361 : i32
    %dma_start3A_363 = arith.constant 0 : i32
    %dma_start3A_364 = tpu.memref_slice %arg4[%add3A_362, %dma_start3A_363] : memref<16384x1024xf32, #tpu.memory_space<hbm>> -> memref<16x1024xf32, #tpu.memory_space<hbm>>
    %dma_start3A_365 = arith.constant 0 : i32
    %dma_start3A_366 = tpu.memref_slice %arg4[%add3A_362, %dma_start3A_365] : memref<16384x1024xf32, #tpu.memory_space<hbm>> -> memref<16x1024xf32, #tpu.memory_space<hbm>>
    tpu.enqueue_dma source(%arg8 : memref<16x1024xf32, #tpu.memory_space<vmem>>) target(%dma_start3A_366 : memref<16x1024xf32, #tpu.memory_space<hbm>>) target_semaphore(%arg22 : memref<!tpu.dma_semaphore, #tpu.memory_space<semaphore_mem>>)
    %dma_wait3A_367 = arith.constant 0 : i32
    %dma_wait3A_368 = tpu.memref_slice %arg4[%add3A_362, %dma_wait3A_367] : memref<16384x1024xf32, #tpu.memory_space<hbm>> -> memref<16x1024xf32, #tpu.memory_space<hbm>>
    %dma_wait3A_369 = arith.constant 0 : i32
    %dma_wait3A_370 = tpu.memref_slice %arg4[%add3A_362, %dma_wait3A_369] : memref<16384x1024xf32, #tpu.memory_space<hbm>> -> memref<16x1024xf32, #tpu.memory_space<hbm>>
    tpu.wait_dma2 semaphore(%arg22 : memref<!tpu.dma_semaphore, #tpu.memory_space<semaphore_mem>>) src(%arg8 : memref<16x1024xf32, #tpu.memory_space<vmem>>) dst(%dma_wait3A_370 : memref<16x1024xf32, #tpu.memory_space<hbm>>)
    %dma_start3A_371 = arith.constant 368 : i32
    %dma_start3A_372 = tpu.memref_slice %arg5[%dma_start3A_371] : memref<512xi32, #tpu.memory_space<vmem>> -> memref<16xi32, #tpu.memory_space<vmem>>
    %dma_start3A_373 = arith.constant 0 : i32
    %dma_start3A_374 = arith.constant 0 : i32
    %dma_start3A_375 = tpu.memref_slice %arg2[%dma_start3A_373, %dma_start3A_374] : memref<100000x1024xf32, #tpu.memory_space<hbm>> -> memref<100000x1024xf32, #tpu.memory_space<hbm>>
    tpu.enqueue_indirect_dma source(%dma_start3A_375 : memref<100000x1024xf32, #tpu.memory_space<hbm>>) target(%arg8 : memref<16x1024xf32, #tpu.memory_space<vmem>>) offsets(%dma_start3A_372 : memref<16xi32, #tpu.memory_space<vmem>>) semaphore(%arg15 : memref<!tpu.dma_semaphore, #tpu.memory_space<semaphore_mem>>)
    %dma_wait3A_376 = arith.constant 272 : i32
    %dma_wait3A_377 = tpu.memref_slice %arg5[%dma_wait3A_376] : memref<512xi32, #tpu.memory_space<vmem>> -> memref<16xi32, #tpu.memory_space<vmem>>
    %dma_wait3A_378 = arith.constant 0 : i32
    %dma_wait3A_379 = arith.constant 0 : i32
    %dma_wait3A_380 = tpu.memref_slice %arg2[%dma_wait3A_378, %dma_wait3A_379] : memref<100000x1024xf32, #tpu.memory_space<hbm>> -> memref<100000x1024xf32, #tpu.memory_space<hbm>>
    tpu.wait_indirect_dma semaphore(%arg16 : memref<!tpu.dma_semaphore, #tpu.memory_space<semaphore_mem>>) src(%dma_wait3A_380 : memref<100000x1024xf32, #tpu.memory_space<hbm>>) dst(%arg9 : memref<16x1024xf32, #tpu.memory_space<vmem>>)
    %add3A_381 = arith.constant 272 : i32
    %add3A_382 = arith.addi %mul3A_2, %add3A_381 : i32
    %dma_start3A_383 = arith.constant 0 : i32
    %dma_start3A_384 = tpu.memref_slice %arg4[%add3A_382, %dma_start3A_383] : memref<16384x1024xf32, #tpu.memory_space<hbm>> -> memref<16x1024xf32, #tpu.memory_space<hbm>>
    %dma_start3A_385 = arith.constant 0 : i32
    %dma_start3A_386 = tpu.memref_slice %arg4[%add3A_382, %dma_start3A_385] : memref<16384x1024xf32, #tpu.memory_space<hbm>> -> memref<16x1024xf32, #tpu.memory_space<hbm>>
    tpu.enqueue_dma source(%arg9 : memref<16x1024xf32, #tpu.memory_space<vmem>>) target(%dma_start3A_386 : memref<16x1024xf32, #tpu.memory_space<hbm>>) target_semaphore(%arg23 : memref<!tpu.dma_semaphore, #tpu.memory_space<semaphore_mem>>)
    %dma_wait3A_387 = arith.constant 0 : i32
    %dma_wait3A_388 = tpu.memref_slice %arg4[%add3A_382, %dma_wait3A_387] : memref<16384x1024xf32, #tpu.memory_space<hbm>> -> memref<16x1024xf32, #tpu.memory_space<hbm>>
    %dma_wait3A_389 = arith.constant 0 : i32
    %dma_wait3A_390 = tpu.memref_slice %arg4[%add3A_382, %dma_wait3A_389] : memref<16384x1024xf32, #tpu.memory_space<hbm>> -> memref<16x1024xf32, #tpu.memory_space<hbm>>
    tpu.wait_dma2 semaphore(%arg23 : memref<!tpu.dma_semaphore, #tpu.memory_space<semaphore_mem>>) src(%arg9 : memref<16x1024xf32, #tpu.memory_space<vmem>>) dst(%dma_wait3A_390 : memref<16x1024xf32, #tpu.memory_space<hbm>>)
    %dma_start3A_391 = arith.constant 384 : i32
    %dma_start3A_392 = tpu.memref_slice %arg5[%dma_start3A_391] : memref<512xi32, #tpu.memory_space<vmem>> -> memref<16xi32, #tpu.memory_space<vmem>>
    %dma_start3A_393 = arith.constant 0 : i32
    %dma_start3A_394 = arith.constant 0 : i32
    %dma_start3A_395 = tpu.memref_slice %arg2[%dma_start3A_393, %dma_start3A_394] : memref<100000x1024xf32, #tpu.memory_space<hbm>> -> memref<100000x1024xf32, #tpu.memory_space<hbm>>
    tpu.enqueue_indirect_dma source(%dma_start3A_395 : memref<100000x1024xf32, #tpu.memory_space<hbm>>) target(%arg9 : memref<16x1024xf32, #tpu.memory_space<vmem>>) offsets(%dma_start3A_392 : memref<16xi32, #tpu.memory_space<vmem>>) semaphore(%arg16 : memref<!tpu.dma_semaphore, #tpu.memory_space<semaphore_mem>>)
    %dma_wait3A_396 = arith.constant 288 : i32
    %dma_wait3A_397 = tpu.memref_slice %arg5[%dma_wait3A_396] : memref<512xi32, #tpu.memory_space<vmem>> -> memref<16xi32, #tpu.memory_space<vmem>>
    %dma_wait3A_398 = arith.constant 0 : i32
    %dma_wait3A_399 = arith.constant 0 : i32
    %dma_wait3A_400 = tpu.memref_slice %arg2[%dma_wait3A_398, %dma_wait3A_399] : memref<100000x1024xf32, #tpu.memory_space<hbm>> -> memref<100000x1024xf32, #tpu.memory_space<hbm>>
    tpu.wait_indirect_dma semaphore(%arg17 : memref<!tpu.dma_semaphore, #tpu.memory_space<semaphore_mem>>) src(%dma_wait3A_400 : memref<100000x1024xf32, #tpu.memory_space<hbm>>) dst(%arg10 : memref<16x1024xf32, #tpu.memory_space<vmem>>)
    %add3A_401 = arith.constant 288 : i32
    %add3A_402 = arith.addi %mul3A_2, %add3A_401 : i32
    %dma_start3A_403 = arith.constant 0 : i32
    %dma_start3A_404 = tpu.memref_slice %arg4[%add3A_402, %dma_start3A_403] : memref<16384x1024xf32, #tpu.memory_space<hbm>> -> memref<16x1024xf32, #tpu.memory_space<hbm>>
    %dma_start3A_405 = arith.constant 0 : i32
    %dma_start3A_406 = tpu.memref_slice %arg4[%add3A_402, %dma_start3A_405] : memref<16384x1024xf32, #tpu.memory_space<hbm>> -> memref<16x1024xf32, #tpu.memory_space<hbm>>
    tpu.enqueue_dma source(%arg10 : memref<16x1024xf32, #tpu.memory_space<vmem>>) target(%dma_start3A_406 : memref<16x1024xf32, #tpu.memory_space<hbm>>) target_semaphore(%arg24 : memref<!tpu.dma_semaphore, #tpu.memory_space<semaphore_mem>>)
    %dma_wait3A_407 = arith.constant 0 : i32
    %dma_wait3A_408 = tpu.memref_slice %arg4[%add3A_402, %dma_wait3A_407] : memref<16384x1024xf32, #tpu.memory_space<hbm>> -> memref<16x1024xf32, #tpu.memory_space<hbm>>
    %dma_wait3A_409 = arith.constant 0 : i32
    %dma_wait3A_410 = tpu.memref_slice %arg4[%add3A_402, %dma_wait3A_409] : memref<16384x1024xf32, #tpu.memory_space<hbm>> -> memref<16x1024xf32, #tpu.memory_space<hbm>>
    tpu.wait_dma2 semaphore(%arg24 : memref<!tpu.dma_semaphore, #tpu.memory_space<semaphore_mem>>) src(%arg10 : memref<16x1024xf32, #tpu.memory_space<vmem>>) dst(%dma_wait3A_410 : memref<16x1024xf32, #tpu.memory_space<hbm>>)
    %dma_start3A_411 = arith.constant 400 : i32
    %dma_start3A_412 = tpu.memref_slice %arg5[%dma_start3A_411] : memref<512xi32, #tpu.memory_space<vmem>> -> memref<16xi32, #tpu.memory_space<vmem>>
    %dma_start3A_413 = arith.constant 0 : i32
    %dma_start3A_414 = arith.constant 0 : i32
    %dma_start3A_415 = tpu.memref_slice %arg2[%dma_start3A_413, %dma_start3A_414] : memref<100000x1024xf32, #tpu.memory_space<hbm>> -> memref<100000x1024xf32, #tpu.memory_space<hbm>>
    tpu.enqueue_indirect_dma source(%dma_start3A_415 : memref<100000x1024xf32, #tpu.memory_space<hbm>>) target(%arg10 : memref<16x1024xf32, #tpu.memory_space<vmem>>) offsets(%dma_start3A_412 : memref<16xi32, #tpu.memory_space<vmem>>) semaphore(%arg17 : memref<!tpu.dma_semaphore, #tpu.memory_space<semaphore_mem>>)
    %dma_wait3A_416 = arith.constant 304 : i32
    %dma_wait3A_417 = tpu.memref_slice %arg5[%dma_wait3A_416] : memref<512xi32, #tpu.memory_space<vmem>> -> memref<16xi32, #tpu.memory_space<vmem>>
    %dma_wait3A_418 = arith.constant 0 : i32
    %dma_wait3A_419 = arith.constant 0 : i32
    %dma_wait3A_420 = tpu.memref_slice %arg2[%dma_wait3A_418, %dma_wait3A_419] : memref<100000x1024xf32, #tpu.memory_space<hbm>> -> memref<100000x1024xf32, #tpu.memory_space<hbm>>
    tpu.wait_indirect_dma semaphore(%arg18 : memref<!tpu.dma_semaphore, #tpu.memory_space<semaphore_mem>>) src(%dma_wait3A_420 : memref<100000x1024xf32, #tpu.memory_space<hbm>>) dst(%arg11 : memref<16x1024xf32, #tpu.memory_space<vmem>>)
    %add3A_421 = arith.constant 304 : i32
    %add3A_422 = arith.addi %mul3A_2, %add3A_421 : i32
    %dma_start3A_423 = arith.constant 0 : i32
    %dma_start3A_424 = tpu.memref_slice %arg4[%add3A_422, %dma_start3A_423] : memref<16384x1024xf32, #tpu.memory_space<hbm>> -> memref<16x1024xf32, #tpu.memory_space<hbm>>
    %dma_start3A_425 = arith.constant 0 : i32
    %dma_start3A_426 = tpu.memref_slice %arg4[%add3A_422, %dma_start3A_425] : memref<16384x1024xf32, #tpu.memory_space<hbm>> -> memref<16x1024xf32, #tpu.memory_space<hbm>>
    tpu.enqueue_dma source(%arg11 : memref<16x1024xf32, #tpu.memory_space<vmem>>) target(%dma_start3A_426 : memref<16x1024xf32, #tpu.memory_space<hbm>>) target_semaphore(%arg25 : memref<!tpu.dma_semaphore, #tpu.memory_space<semaphore_mem>>)
    %dma_wait3A_427 = arith.constant 0 : i32
    %dma_wait3A_428 = tpu.memref_slice %arg4[%add3A_422, %dma_wait3A_427] : memref<16384x1024xf32, #tpu.memory_space<hbm>> -> memref<16x1024xf32, #tpu.memory_space<hbm>>
    %dma_wait3A_429 = arith.constant 0 : i32
    %dma_wait3A_430 = tpu.memref_slice %arg4[%add3A_422, %dma_wait3A_429] : memref<16384x1024xf32, #tpu.memory_space<hbm>> -> memref<16x1024xf32, #tpu.memory_space<hbm>>
    tpu.wait_dma2 semaphore(%arg25 : memref<!tpu.dma_semaphore, #tpu.memory_space<semaphore_mem>>) src(%arg11 : memref<16x1024xf32, #tpu.memory_space<vmem>>) dst(%dma_wait3A_430 : memref<16x1024xf32, #tpu.memory_space<hbm>>)
    %dma_start3A_431 = arith.constant 416 : i32
    %dma_start3A_432 = tpu.memref_slice %arg5[%dma_start3A_431] : memref<512xi32, #tpu.memory_space<vmem>> -> memref<16xi32, #tpu.memory_space<vmem>>
    %dma_start3A_433 = arith.constant 0 : i32
    %dma_start3A_434 = arith.constant 0 : i32
    %dma_start3A_435 = tpu.memref_slice %arg2[%dma_start3A_433, %dma_start3A_434] : memref<100000x1024xf32, #tpu.memory_space<hbm>> -> memref<100000x1024xf32, #tpu.memory_space<hbm>>
    tpu.enqueue_indirect_dma source(%dma_start3A_435 : memref<100000x1024xf32, #tpu.memory_space<hbm>>) target(%arg11 : memref<16x1024xf32, #tpu.memory_space<vmem>>) offsets(%dma_start3A_432 : memref<16xi32, #tpu.memory_space<vmem>>) semaphore(%arg18 : memref<!tpu.dma_semaphore, #tpu.memory_space<semaphore_mem>>)
    %dma_wait3A_436 = arith.constant 320 : i32
    %dma_wait3A_437 = tpu.memref_slice %arg5[%dma_wait3A_436] : memref<512xi32, #tpu.memory_space<vmem>> -> memref<16xi32, #tpu.memory_space<vmem>>
    %dma_wait3A_438 = arith.constant 0 : i32
    %dma_wait3A_439 = arith.constant 0 : i32
    %dma_wait3A_440 = tpu.memref_slice %arg2[%dma_wait3A_438, %dma_wait3A_439] : memref<100000x1024xf32, #tpu.memory_space<hbm>> -> memref<100000x1024xf32, #tpu.memory_space<hbm>>
    tpu.wait_indirect_dma semaphore(%arg19 : memref<!tpu.dma_semaphore, #tpu.memory_space<semaphore_mem>>) src(%dma_wait3A_440 : memref<100000x1024xf32, #tpu.memory_space<hbm>>) dst(%arg12 : memref<16x1024xf32, #tpu.memory_space<vmem>>)
    %add3A_441 = arith.constant 320 : i32
    %add3A_442 = arith.addi %mul3A_2, %add3A_441 : i32
    %dma_start3A_443 = arith.constant 0 : i32
    %dma_start3A_444 = tpu.memref_slice %arg4[%add3A_442, %dma_start3A_443] : memref<16384x1024xf32, #tpu.memory_space<hbm>> -> memref<16x1024xf32, #tpu.memory_space<hbm>>
    %dma_start3A_445 = arith.constant 0 : i32
    %dma_start3A_446 = tpu.memref_slice %arg4[%add3A_442, %dma_start3A_445] : memref<16384x1024xf32, #tpu.memory_space<hbm>> -> memref<16x1024xf32, #tpu.memory_space<hbm>>
    tpu.enqueue_dma source(%arg12 : memref<16x1024xf32, #tpu.memory_space<vmem>>) target(%dma_start3A_446 : memref<16x1024xf32, #tpu.memory_space<hbm>>) target_semaphore(%arg26 : memref<!tpu.dma_semaphore, #tpu.memory_space<semaphore_mem>>)
    %dma_wait3A_447 = arith.constant 0 : i32
    %dma_wait3A_448 = tpu.memref_slice %arg4[%add3A_442, %dma_wait3A_447] : memref<16384x1024xf32, #tpu.memory_space<hbm>> -> memref<16x1024xf32, #tpu.memory_space<hbm>>
    %dma_wait3A_449 = arith.constant 0 : i32
    %dma_wait3A_450 = tpu.memref_slice %arg4[%add3A_442, %dma_wait3A_449] : memref<16384x1024xf32, #tpu.memory_space<hbm>> -> memref<16x1024xf32, #tpu.memory_space<hbm>>
    tpu.wait_dma2 semaphore(%arg26 : memref<!tpu.dma_semaphore, #tpu.memory_space<semaphore_mem>>) src(%arg12 : memref<16x1024xf32, #tpu.memory_space<vmem>>) dst(%dma_wait3A_450 : memref<16x1024xf32, #tpu.memory_space<hbm>>)
    %dma_start3A_451 = arith.constant 432 : i32
    %dma_start3A_452 = tpu.memref_slice %arg5[%dma_start3A_451] : memref<512xi32, #tpu.memory_space<vmem>> -> memref<16xi32, #tpu.memory_space<vmem>>
    %dma_start3A_453 = arith.constant 0 : i32
    %dma_start3A_454 = arith.constant 0 : i32
    %dma_start3A_455 = tpu.memref_slice %arg2[%dma_start3A_453, %dma_start3A_454] : memref<100000x1024xf32, #tpu.memory_space<hbm>> -> memref<100000x1024xf32, #tpu.memory_space<hbm>>
    tpu.enqueue_indirect_dma source(%dma_start3A_455 : memref<100000x1024xf32, #tpu.memory_space<hbm>>) target(%arg12 : memref<16x1024xf32, #tpu.memory_space<vmem>>) offsets(%dma_start3A_452 : memref<16xi32, #tpu.memory_space<vmem>>) semaphore(%arg19 : memref<!tpu.dma_semaphore, #tpu.memory_space<semaphore_mem>>)
    %dma_wait3A_456 = arith.constant 336 : i32
    %dma_wait3A_457 = tpu.memref_slice %arg5[%dma_wait3A_456] : memref<512xi32, #tpu.memory_space<vmem>> -> memref<16xi32, #tpu.memory_space<vmem>>
    %dma_wait3A_458 = arith.constant 0 : i32
    %dma_wait3A_459 = arith.constant 0 : i32
    %dma_wait3A_460 = tpu.memref_slice %arg2[%dma_wait3A_458, %dma_wait3A_459] : memref<100000x1024xf32, #tpu.memory_space<hbm>> -> memref<100000x1024xf32, #tpu.memory_space<hbm>>
    tpu.wait_indirect_dma semaphore(%arg13 : memref<!tpu.dma_semaphore, #tpu.memory_space<semaphore_mem>>) src(%dma_wait3A_460 : memref<100000x1024xf32, #tpu.memory_space<hbm>>) dst(%arg6 : memref<16x1024xf32, #tpu.memory_space<vmem>>)
    %add3A_461 = arith.constant 336 : i32
    %add3A_462 = arith.addi %mul3A_2, %add3A_461 : i32
    %dma_start3A_463 = arith.constant 0 : i32
    %dma_start3A_464 = tpu.memref_slice %arg4[%add3A_462, %dma_start3A_463] : memref<16384x1024xf32, #tpu.memory_space<hbm>> -> memref<16x1024xf32, #tpu.memory_space<hbm>>
    %dma_start3A_465 = arith.constant 0 : i32
    %dma_start3A_466 = tpu.memref_slice %arg4[%add3A_462, %dma_start3A_465] : memref<16384x1024xf32, #tpu.memory_space<hbm>> -> memref<16x1024xf32, #tpu.memory_space<hbm>>
    tpu.enqueue_dma source(%arg6 : memref<16x1024xf32, #tpu.memory_space<vmem>>) target(%dma_start3A_466 : memref<16x1024xf32, #tpu.memory_space<hbm>>) target_semaphore(%arg20 : memref<!tpu.dma_semaphore, #tpu.memory_space<semaphore_mem>>)
    %dma_wait3A_467 = arith.constant 0 : i32
    %dma_wait3A_468 = tpu.memref_slice %arg4[%add3A_462, %dma_wait3A_467] : memref<16384x1024xf32, #tpu.memory_space<hbm>> -> memref<16x1024xf32, #tpu.memory_space<hbm>>
    %dma_wait3A_469 = arith.constant 0 : i32
    %dma_wait3A_470 = tpu.memref_slice %arg4[%add3A_462, %dma_wait3A_469] : memref<16384x1024xf32, #tpu.memory_space<hbm>> -> memref<16x1024xf32, #tpu.memory_space<hbm>>
    tpu.wait_dma2 semaphore(%arg20 : memref<!tpu.dma_semaphore, #tpu.memory_space<semaphore_mem>>) src(%arg6 : memref<16x1024xf32, #tpu.memory_space<vmem>>) dst(%dma_wait3A_470 : memref<16x1024xf32, #tpu.memory_space<hbm>>)
    %dma_start3A_471 = arith.constant 448 : i32
    %dma_start3A_472 = tpu.memref_slice %arg5[%dma_start3A_471] : memref<512xi32, #tpu.memory_space<vmem>> -> memref<16xi32, #tpu.memory_space<vmem>>
    %dma_start3A_473 = arith.constant 0 : i32
    %dma_start3A_474 = arith.constant 0 : i32
    %dma_start3A_475 = tpu.memref_slice %arg2[%dma_start3A_473, %dma_start3A_474] : memref<100000x1024xf32, #tpu.memory_space<hbm>> -> memref<100000x1024xf32, #tpu.memory_space<hbm>>
    tpu.enqueue_indirect_dma source(%dma_start3A_475 : memref<100000x1024xf32, #tpu.memory_space<hbm>>) target(%arg6 : memref<16x1024xf32, #tpu.memory_space<vmem>>) offsets(%dma_start3A_472 : memref<16xi32, #tpu.memory_space<vmem>>) semaphore(%arg13 : memref<!tpu.dma_semaphore, #tpu.memory_space<semaphore_mem>>)
    %dma_wait3A_476 = arith.constant 352 : i32
    %dma_wait3A_477 = tpu.memref_slice %arg5[%dma_wait3A_476] : memref<512xi32, #tpu.memory_space<vmem>> -> memref<16xi32, #tpu.memory_space<vmem>>
    %dma_wait3A_478 = arith.constant 0 : i32
    %dma_wait3A_479 = arith.constant 0 : i32
    %dma_wait3A_480 = tpu.memref_slice %arg2[%dma_wait3A_478, %dma_wait3A_479] : memref<100000x1024xf32, #tpu.memory_space<hbm>> -> memref<100000x1024xf32, #tpu.memory_space<hbm>>
    tpu.wait_indirect_dma semaphore(%arg14 : memref<!tpu.dma_semaphore, #tpu.memory_space<semaphore_mem>>) src(%dma_wait3A_480 : memref<100000x1024xf32, #tpu.memory_space<hbm>>) dst(%arg7 : memref<16x1024xf32, #tpu.memory_space<vmem>>)
    %add3A_481 = arith.constant 352 : i32
    %add3A_482 = arith.addi %mul3A_2, %add3A_481 : i32
    %dma_start3A_483 = arith.constant 0 : i32
    %dma_start3A_484 = tpu.memref_slice %arg4[%add3A_482, %dma_start3A_483] : memref<16384x1024xf32, #tpu.memory_space<hbm>> -> memref<16x1024xf32, #tpu.memory_space<hbm>>
    %dma_start3A_485 = arith.constant 0 : i32
    %dma_start3A_486 = tpu.memref_slice %arg4[%add3A_482, %dma_start3A_485] : memref<16384x1024xf32, #tpu.memory_space<hbm>> -> memref<16x1024xf32, #tpu.memory_space<hbm>>
    tpu.enqueue_dma source(%arg7 : memref<16x1024xf32, #tpu.memory_space<vmem>>) target(%dma_start3A_486 : memref<16x1024xf32, #tpu.memory_space<hbm>>) target_semaphore(%arg21 : memref<!tpu.dma_semaphore, #tpu.memory_space<semaphore_mem>>)
    %dma_wait3A_487 = arith.constant 0 : i32
    %dma_wait3A_488 = tpu.memref_slice %arg4[%add3A_482, %dma_wait3A_487] : memref<16384x1024xf32, #tpu.memory_space<hbm>> -> memref<16x1024xf32, #tpu.memory_space<hbm>>
    %dma_wait3A_489 = arith.constant 0 : i32
    %dma_wait3A_490 = tpu.memref_slice %arg4[%add3A_482, %dma_wait3A_489] : memref<16384x1024xf32, #tpu.memory_space<hbm>> -> memref<16x1024xf32, #tpu.memory_space<hbm>>
    tpu.wait_dma2 semaphore(%arg21 : memref<!tpu.dma_semaphore, #tpu.memory_space<semaphore_mem>>) src(%arg7 : memref<16x1024xf32, #tpu.memory_space<vmem>>) dst(%dma_wait3A_490 : memref<16x1024xf32, #tpu.memory_space<hbm>>)
    %dma_start3A_491 = arith.constant 464 : i32
    %dma_start3A_492 = tpu.memref_slice %arg5[%dma_start3A_491] : memref<512xi32, #tpu.memory_space<vmem>> -> memref<16xi32, #tpu.memory_space<vmem>>
    %dma_start3A_493 = arith.constant 0 : i32
    %dma_start3A_494 = arith.constant 0 : i32
    %dma_start3A_495 = tpu.memref_slice %arg2[%dma_start3A_493, %dma_start3A_494] : memref<100000x1024xf32, #tpu.memory_space<hbm>> -> memref<100000x1024xf32, #tpu.memory_space<hbm>>
    tpu.enqueue_indirect_dma source(%dma_start3A_495 : memref<100000x1024xf32, #tpu.memory_space<hbm>>) target(%arg7 : memref<16x1024xf32, #tpu.memory_space<vmem>>) offsets(%dma_start3A_492 : memref<16xi32, #tpu.memory_space<vmem>>) semaphore(%arg14 : memref<!tpu.dma_semaphore, #tpu.memory_space<semaphore_mem>>)
    %dma_wait3A_496 = arith.constant 368 : i32
    %dma_wait3A_497 = tpu.memref_slice %arg5[%dma_wait3A_496] : memref<512xi32, #tpu.memory_space<vmem>> -> memref<16xi32, #tpu.memory_space<vmem>>
    %dma_wait3A_498 = arith.constant 0 : i32
    %dma_wait3A_499 = arith.constant 0 : i32
    %dma_wait3A_500 = tpu.memref_slice %arg2[%dma_wait3A_498, %dma_wait3A_499] : memref<100000x1024xf32, #tpu.memory_space<hbm>> -> memref<100000x1024xf32, #tpu.memory_space<hbm>>
    tpu.wait_indirect_dma semaphore(%arg15 : memref<!tpu.dma_semaphore, #tpu.memory_space<semaphore_mem>>) src(%dma_wait3A_500 : memref<100000x1024xf32, #tpu.memory_space<hbm>>) dst(%arg8 : memref<16x1024xf32, #tpu.memory_space<vmem>>)
    %add3A_501 = arith.constant 368 : i32
    %add3A_502 = arith.addi %mul3A_2, %add3A_501 : i32
    %dma_start3A_503 = arith.constant 0 : i32
    %dma_start3A_504 = tpu.memref_slice %arg4[%add3A_502, %dma_start3A_503] : memref<16384x1024xf32, #tpu.memory_space<hbm>> -> memref<16x1024xf32, #tpu.memory_space<hbm>>
    %dma_start3A_505 = arith.constant 0 : i32
    %dma_start3A_506 = tpu.memref_slice %arg4[%add3A_502, %dma_start3A_505] : memref<16384x1024xf32, #tpu.memory_space<hbm>> -> memref<16x1024xf32, #tpu.memory_space<hbm>>
    tpu.enqueue_dma source(%arg8 : memref<16x1024xf32, #tpu.memory_space<vmem>>) target(%dma_start3A_506 : memref<16x1024xf32, #tpu.memory_space<hbm>>) target_semaphore(%arg22 : memref<!tpu.dma_semaphore, #tpu.memory_space<semaphore_mem>>)
    %dma_wait3A_507 = arith.constant 0 : i32
    %dma_wait3A_508 = tpu.memref_slice %arg4[%add3A_502, %dma_wait3A_507] : memref<16384x1024xf32, #tpu.memory_space<hbm>> -> memref<16x1024xf32, #tpu.memory_space<hbm>>
    %dma_wait3A_509 = arith.constant 0 : i32
    %dma_wait3A_510 = tpu.memref_slice %arg4[%add3A_502, %dma_wait3A_509] : memref<16384x1024xf32, #tpu.memory_space<hbm>> -> memref<16x1024xf32, #tpu.memory_space<hbm>>
    tpu.wait_dma2 semaphore(%arg22 : memref<!tpu.dma_semaphore, #tpu.memory_space<semaphore_mem>>) src(%arg8 : memref<16x1024xf32, #tpu.memory_space<vmem>>) dst(%dma_wait3A_510 : memref<16x1024xf32, #tpu.memory_space<hbm>>)
    %dma_start3A_511 = arith.constant 480 : i32
    %dma_start3A_512 = tpu.memref_slice %arg5[%dma_start3A_511] : memref<512xi32, #tpu.memory_space<vmem>> -> memref<16xi32, #tpu.memory_space<vmem>>
    %dma_start3A_513 = arith.constant 0 : i32
    %dma_start3A_514 = arith.constant 0 : i32
    %dma_start3A_515 = tpu.memref_slice %arg2[%dma_start3A_513, %dma_start3A_514] : memref<100000x1024xf32, #tpu.memory_space<hbm>> -> memref<100000x1024xf32, #tpu.memory_space<hbm>>
    tpu.enqueue_indirect_dma source(%dma_start3A_515 : memref<100000x1024xf32, #tpu.memory_space<hbm>>) target(%arg8 : memref<16x1024xf32, #tpu.memory_space<vmem>>) offsets(%dma_start3A_512 : memref<16xi32, #tpu.memory_space<vmem>>) semaphore(%arg15 : memref<!tpu.dma_semaphore, #tpu.memory_space<semaphore_mem>>)
    %dma_wait3A_516 = arith.constant 384 : i32
    %dma_wait3A_517 = tpu.memref_slice %arg5[%dma_wait3A_516] : memref<512xi32, #tpu.memory_space<vmem>> -> memref<16xi32, #tpu.memory_space<vmem>>
    %dma_wait3A_518 = arith.constant 0 : i32
    %dma_wait3A_519 = arith.constant 0 : i32
    %dma_wait3A_520 = tpu.memref_slice %arg2[%dma_wait3A_518, %dma_wait3A_519] : memref<100000x1024xf32, #tpu.memory_space<hbm>> -> memref<100000x1024xf32, #tpu.memory_space<hbm>>
    tpu.wait_indirect_dma semaphore(%arg16 : memref<!tpu.dma_semaphore, #tpu.memory_space<semaphore_mem>>) src(%dma_wait3A_520 : memref<100000x1024xf32, #tpu.memory_space<hbm>>) dst(%arg9 : memref<16x1024xf32, #tpu.memory_space<vmem>>)
    %add3A_521 = arith.constant 384 : i32
    %add3A_522 = arith.addi %mul3A_2, %add3A_521 : i32
    %dma_start3A_523 = arith.constant 0 : i32
    %dma_start3A_524 = tpu.memref_slice %arg4[%add3A_522, %dma_start3A_523] : memref<16384x1024xf32, #tpu.memory_space<hbm>> -> memref<16x1024xf32, #tpu.memory_space<hbm>>
    %dma_start3A_525 = arith.constant 0 : i32
    %dma_start3A_526 = tpu.memref_slice %arg4[%add3A_522, %dma_start3A_525] : memref<16384x1024xf32, #tpu.memory_space<hbm>> -> memref<16x1024xf32, #tpu.memory_space<hbm>>
    tpu.enqueue_dma source(%arg9 : memref<16x1024xf32, #tpu.memory_space<vmem>>) target(%dma_start3A_526 : memref<16x1024xf32, #tpu.memory_space<hbm>>) target_semaphore(%arg23 : memref<!tpu.dma_semaphore, #tpu.memory_space<semaphore_mem>>)
    %dma_wait3A_527 = arith.constant 0 : i32
    %dma_wait3A_528 = tpu.memref_slice %arg4[%add3A_522, %dma_wait3A_527] : memref<16384x1024xf32, #tpu.memory_space<hbm>> -> memref<16x1024xf32, #tpu.memory_space<hbm>>
    %dma_wait3A_529 = arith.constant 0 : i32
    %dma_wait3A_530 = tpu.memref_slice %arg4[%add3A_522, %dma_wait3A_529] : memref<16384x1024xf32, #tpu.memory_space<hbm>> -> memref<16x1024xf32, #tpu.memory_space<hbm>>
    tpu.wait_dma2 semaphore(%arg23 : memref<!tpu.dma_semaphore, #tpu.memory_space<semaphore_mem>>) src(%arg9 : memref<16x1024xf32, #tpu.memory_space<vmem>>) dst(%dma_wait3A_530 : memref<16x1024xf32, #tpu.memory_space<hbm>>)
    %dma_start3A_531 = arith.constant 496 : i32
    %dma_start3A_532 = tpu.memref_slice %arg5[%dma_start3A_531] : memref<512xi32, #tpu.memory_space<vmem>> -> memref<16xi32, #tpu.memory_space<vmem>>
    %dma_start3A_533 = arith.constant 0 : i32
    %dma_start3A_534 = arith.constant 0 : i32
    %dma_start3A_535 = tpu.memref_slice %arg2[%dma_start3A_533, %dma_start3A_534] : memref<100000x1024xf32, #tpu.memory_space<hbm>> -> memref<100000x1024xf32, #tpu.memory_space<hbm>>
    tpu.enqueue_indirect_dma source(%dma_start3A_535 : memref<100000x1024xf32, #tpu.memory_space<hbm>>) target(%arg9 : memref<16x1024xf32, #tpu.memory_space<vmem>>) offsets(%dma_start3A_532 : memref<16xi32, #tpu.memory_space<vmem>>) semaphore(%arg16 : memref<!tpu.dma_semaphore, #tpu.memory_space<semaphore_mem>>)
    %dma_wait3A_536 = arith.constant 400 : i32
    %dma_wait3A_537 = tpu.memref_slice %arg5[%dma_wait3A_536] : memref<512xi32, #tpu.memory_space<vmem>> -> memref<16xi32, #tpu.memory_space<vmem>>
    %dma_wait3A_538 = arith.constant 0 : i32
    %dma_wait3A_539 = arith.constant 0 : i32
    %dma_wait3A_540 = tpu.memref_slice %arg2[%dma_wait3A_538, %dma_wait3A_539] : memref<100000x1024xf32, #tpu.memory_space<hbm>> -> memref<100000x1024xf32, #tpu.memory_space<hbm>>
    tpu.wait_indirect_dma semaphore(%arg17 : memref<!tpu.dma_semaphore, #tpu.memory_space<semaphore_mem>>) src(%dma_wait3A_540 : memref<100000x1024xf32, #tpu.memory_space<hbm>>) dst(%arg10 : memref<16x1024xf32, #tpu.memory_space<vmem>>)
    %add3A_541 = arith.constant 400 : i32
    %add3A_542 = arith.addi %mul3A_2, %add3A_541 : i32
    %dma_start3A_543 = arith.constant 0 : i32
    %dma_start3A_544 = tpu.memref_slice %arg4[%add3A_542, %dma_start3A_543] : memref<16384x1024xf32, #tpu.memory_space<hbm>> -> memref<16x1024xf32, #tpu.memory_space<hbm>>
    %dma_start3A_545 = arith.constant 0 : i32
    %dma_start3A_546 = tpu.memref_slice %arg4[%add3A_542, %dma_start3A_545] : memref<16384x1024xf32, #tpu.memory_space<hbm>> -> memref<16x1024xf32, #tpu.memory_space<hbm>>
    tpu.enqueue_dma source(%arg10 : memref<16x1024xf32, #tpu.memory_space<vmem>>) target(%dma_start3A_546 : memref<16x1024xf32, #tpu.memory_space<hbm>>) target_semaphore(%arg24 : memref<!tpu.dma_semaphore, #tpu.memory_space<semaphore_mem>>)
    %dma_wait3A_547 = arith.constant 416 : i32
    %dma_wait3A_548 = tpu.memref_slice %arg5[%dma_wait3A_547] : memref<512xi32, #tpu.memory_space<vmem>> -> memref<16xi32, #tpu.memory_space<vmem>>
    %dma_wait3A_549 = arith.constant 0 : i32
    %dma_wait3A_550 = arith.constant 0 : i32
    %dma_wait3A_551 = tpu.memref_slice %arg2[%dma_wait3A_549, %dma_wait3A_550] : memref<100000x1024xf32, #tpu.memory_space<hbm>> -> memref<100000x1024xf32, #tpu.memory_space<hbm>>
    tpu.wait_indirect_dma semaphore(%arg18 : memref<!tpu.dma_semaphore, #tpu.memory_space<semaphore_mem>>) src(%dma_wait3A_551 : memref<100000x1024xf32, #tpu.memory_space<hbm>>) dst(%arg11 : memref<16x1024xf32, #tpu.memory_space<vmem>>)
    %add3A_552 = arith.constant 416 : i32
    %add3A_553 = arith.addi %mul3A_2, %add3A_552 : i32
    %dma_start3A_554 = arith.constant 0 : i32
    %dma_start3A_555 = tpu.memref_slice %arg4[%add3A_553, %dma_start3A_554] : memref<16384x1024xf32, #tpu.memory_space<hbm>> -> memref<16x1024xf32, #tpu.memory_space<hbm>>
    %dma_start3A_556 = arith.constant 0 : i32
    %dma_start3A_557 = tpu.memref_slice %arg4[%add3A_553, %dma_start3A_556] : memref<16384x1024xf32, #tpu.memory_space<hbm>> -> memref<16x1024xf32, #tpu.memory_space<hbm>>
    tpu.enqueue_dma source(%arg11 : memref<16x1024xf32, #tpu.memory_space<vmem>>) target(%dma_start3A_557 : memref<16x1024xf32, #tpu.memory_space<hbm>>) target_semaphore(%arg25 : memref<!tpu.dma_semaphore, #tpu.memory_space<semaphore_mem>>)
    %dma_wait3A_558 = arith.constant 432 : i32
    %dma_wait3A_559 = tpu.memref_slice %arg5[%dma_wait3A_558] : memref<512xi32, #tpu.memory_space<vmem>> -> memref<16xi32, #tpu.memory_space<vmem>>
    %dma_wait3A_560 = arith.constant 0 : i32
    %dma_wait3A_561 = arith.constant 0 : i32
    %dma_wait3A_562 = tpu.memref_slice %arg2[%dma_wait3A_560, %dma_wait3A_561] : memref<100000x1024xf32, #tpu.memory_space<hbm>> -> memref<100000x1024xf32, #tpu.memory_space<hbm>>
    tpu.wait_indirect_dma semaphore(%arg19 : memref<!tpu.dma_semaphore, #tpu.memory_space<semaphore_mem>>) src(%dma_wait3A_562 : memref<100000x1024xf32, #tpu.memory_space<hbm>>) dst(%arg12 : memref<16x1024xf32, #tpu.memory_space<vmem>>)
    %add3A_563 = arith.constant 432 : i32
    %add3A_564 = arith.addi %mul3A_2, %add3A_563 : i32
    %dma_start3A_565 = arith.constant 0 : i32
    %dma_start3A_566 = tpu.memref_slice %arg4[%add3A_564, %dma_start3A_565] : memref<16384x1024xf32, #tpu.memory_space<hbm>> -> memref<16x1024xf32, #tpu.memory_space<hbm>>
    %dma_start3A_567 = arith.constant 0 : i32
    %dma_start3A_568 = tpu.memref_slice %arg4[%add3A_564, %dma_start3A_567] : memref<16384x1024xf32, #tpu.memory_space<hbm>> -> memref<16x1024xf32, #tpu.memory_space<hbm>>
    tpu.enqueue_dma source(%arg12 : memref<16x1024xf32, #tpu.memory_space<vmem>>) target(%dma_start3A_568 : memref<16x1024xf32, #tpu.memory_space<hbm>>) target_semaphore(%arg26 : memref<!tpu.dma_semaphore, #tpu.memory_space<semaphore_mem>>)
    %dma_wait3A_569 = arith.constant 448 : i32
    %dma_wait3A_570 = tpu.memref_slice %arg5[%dma_wait3A_569] : memref<512xi32, #tpu.memory_space<vmem>> -> memref<16xi32, #tpu.memory_space<vmem>>
    %dma_wait3A_571 = arith.constant 0 : i32
    %dma_wait3A_572 = arith.constant 0 : i32
    %dma_wait3A_573 = tpu.memref_slice %arg2[%dma_wait3A_571, %dma_wait3A_572] : memref<100000x1024xf32, #tpu.memory_space<hbm>> -> memref<100000x1024xf32, #tpu.memory_space<hbm>>
    tpu.wait_indirect_dma semaphore(%arg13 : memref<!tpu.dma_semaphore, #tpu.memory_space<semaphore_mem>>) src(%dma_wait3A_573 : memref<100000x1024xf32, #tpu.memory_space<hbm>>) dst(%arg6 : memref<16x1024xf32, #tpu.memory_space<vmem>>)
    %add3A_574 = arith.constant 448 : i32
    %add3A_575 = arith.addi %mul3A_2, %add3A_574 : i32
    %dma_start3A_576 = arith.constant 0 : i32
    %dma_start3A_577 = tpu.memref_slice %arg4[%add3A_575, %dma_start3A_576] : memref<16384x1024xf32, #tpu.memory_space<hbm>> -> memref<16x1024xf32, #tpu.memory_space<hbm>>
    %dma_start3A_578 = arith.constant 0 : i32
    %dma_start3A_579 = tpu.memref_slice %arg4[%add3A_575, %dma_start3A_578] : memref<16384x1024xf32, #tpu.memory_space<hbm>> -> memref<16x1024xf32, #tpu.memory_space<hbm>>
    tpu.enqueue_dma source(%arg6 : memref<16x1024xf32, #tpu.memory_space<vmem>>) target(%dma_start3A_579 : memref<16x1024xf32, #tpu.memory_space<hbm>>) target_semaphore(%arg20 : memref<!tpu.dma_semaphore, #tpu.memory_space<semaphore_mem>>)
    %dma_wait3A_580 = arith.constant 464 : i32
    %dma_wait3A_581 = tpu.memref_slice %arg5[%dma_wait3A_580] : memref<512xi32, #tpu.memory_space<vmem>> -> memref<16xi32, #tpu.memory_space<vmem>>
    %dma_wait3A_582 = arith.constant 0 : i32
    %dma_wait3A_583 = arith.constant 0 : i32
    %dma_wait3A_584 = tpu.memref_slice %arg2[%dma_wait3A_582, %dma_wait3A_583] : memref<100000x1024xf32, #tpu.memory_space<hbm>> -> memref<100000x1024xf32, #tpu.memory_space<hbm>>
    tpu.wait_indirect_dma semaphore(%arg14 : memref<!tpu.dma_semaphore, #tpu.memory_space<semaphore_mem>>) src(%dma_wait3A_584 : memref<100000x1024xf32, #tpu.memory_space<hbm>>) dst(%arg7 : memref<16x1024xf32, #tpu.memory_space<vmem>>)
    %add3A_585 = arith.constant 464 : i32
    %add3A_586 = arith.addi %mul3A_2, %add3A_585 : i32
    %dma_start3A_587 = arith.constant 0 : i32
    %dma_start3A_588 = tpu.memref_slice %arg4[%add3A_586, %dma_start3A_587] : memref<16384x1024xf32, #tpu.memory_space<hbm>> -> memref<16x1024xf32, #tpu.memory_space<hbm>>
    %dma_start3A_589 = arith.constant 0 : i32
    %dma_start3A_590 = tpu.memref_slice %arg4[%add3A_586, %dma_start3A_589] : memref<16384x1024xf32, #tpu.memory_space<hbm>> -> memref<16x1024xf32, #tpu.memory_space<hbm>>
    tpu.enqueue_dma source(%arg7 : memref<16x1024xf32, #tpu.memory_space<vmem>>) target(%dma_start3A_590 : memref<16x1024xf32, #tpu.memory_space<hbm>>) target_semaphore(%arg21 : memref<!tpu.dma_semaphore, #tpu.memory_space<semaphore_mem>>)
    %dma_wait3A_591 = arith.constant 480 : i32
    %dma_wait3A_592 = tpu.memref_slice %arg5[%dma_wait3A_591] : memref<512xi32, #tpu.memory_space<vmem>> -> memref<16xi32, #tpu.memory_space<vmem>>
    %dma_wait3A_593 = arith.constant 0 : i32
    %dma_wait3A_594 = arith.constant 0 : i32
    %dma_wait3A_595 = tpu.memref_slice %arg2[%dma_wait3A_593, %dma_wait3A_594] : memref<100000x1024xf32, #tpu.memory_space<hbm>> -> memref<100000x1024xf32, #tpu.memory_space<hbm>>
    tpu.wait_indirect_dma semaphore(%arg15 : memref<!tpu.dma_semaphore, #tpu.memory_space<semaphore_mem>>) src(%dma_wait3A_595 : memref<100000x1024xf32, #tpu.memory_space<hbm>>) dst(%arg8 : memref<16x1024xf32, #tpu.memory_space<vmem>>)
    %add3A_596 = arith.constant 480 : i32
    %add3A_597 = arith.addi %mul3A_2, %add3A_596 : i32
    %dma_start3A_598 = arith.constant 0 : i32
    %dma_start3A_599 = tpu.memref_slice %arg4[%add3A_597, %dma_start3A_598] : memref<16384x1024xf32, #tpu.memory_space<hbm>> -> memref<16x1024xf32, #tpu.memory_space<hbm>>
    %dma_start3A_600 = arith.constant 0 : i32
    %dma_start3A_601 = tpu.memref_slice %arg4[%add3A_597, %dma_start3A_600] : memref<16384x1024xf32, #tpu.memory_space<hbm>> -> memref<16x1024xf32, #tpu.memory_space<hbm>>
    tpu.enqueue_dma source(%arg8 : memref<16x1024xf32, #tpu.memory_space<vmem>>) target(%dma_start3A_601 : memref<16x1024xf32, #tpu.memory_space<hbm>>) target_semaphore(%arg22 : memref<!tpu.dma_semaphore, #tpu.memory_space<semaphore_mem>>)
    %dma_wait3A_602 = arith.constant 496 : i32
    %dma_wait3A_603 = tpu.memref_slice %arg5[%dma_wait3A_602] : memref<512xi32, #tpu.memory_space<vmem>> -> memref<16xi32, #tpu.memory_space<vmem>>
    %dma_wait3A_604 = arith.constant 0 : i32
    %dma_wait3A_605 = arith.constant 0 : i32
    %dma_wait3A_606 = tpu.memref_slice %arg2[%dma_wait3A_604, %dma_wait3A_605] : memref<100000x1024xf32, #tpu.memory_space<hbm>> -> memref<100000x1024xf32, #tpu.memory_space<hbm>>
    tpu.wait_indirect_dma semaphore(%arg16 : memref<!tpu.dma_semaphore, #tpu.memory_space<semaphore_mem>>) src(%dma_wait3A_606 : memref<100000x1024xf32, #tpu.memory_space<hbm>>) dst(%arg9 : memref<16x1024xf32, #tpu.memory_space<vmem>>)
    %add3A_607 = arith.constant 496 : i32
    %add3A_608 = arith.addi %mul3A_2, %add3A_607 : i32
    %dma_start3A_609 = arith.constant 0 : i32
    %dma_start3A_610 = tpu.memref_slice %arg4[%add3A_608, %dma_start3A_609] : memref<16384x1024xf32, #tpu.memory_space<hbm>> -> memref<16x1024xf32, #tpu.memory_space<hbm>>
    %dma_start3A_611 = arith.constant 0 : i32
    %dma_start3A_612 = tpu.memref_slice %arg4[%add3A_608, %dma_start3A_611] : memref<16384x1024xf32, #tpu.memory_space<hbm>> -> memref<16x1024xf32, #tpu.memory_space<hbm>>
    tpu.enqueue_dma source(%arg9 : memref<16x1024xf32, #tpu.memory_space<vmem>>) target(%dma_start3A_612 : memref<16x1024xf32, #tpu.memory_space<hbm>>) target_semaphore(%arg23 : memref<!tpu.dma_semaphore, #tpu.memory_space<semaphore_mem>>)
    %dma_wait3A_613 = arith.constant 0 : i32
    %dma_wait3A_614 = tpu.memref_slice %arg4[%add3A_575, %dma_wait3A_613] : memref<16384x1024xf32, #tpu.memory_space<hbm>> -> memref<16x1024xf32, #tpu.memory_space<hbm>>
    %dma_wait3A_615 = arith.constant 0 : i32
    %dma_wait3A_616 = tpu.memref_slice %arg4[%add3A_575, %dma_wait3A_615] : memref<16384x1024xf32, #tpu.memory_space<hbm>> -> memref<16x1024xf32, #tpu.memory_space<hbm>>
    tpu.wait_dma2 semaphore(%arg20 : memref<!tpu.dma_semaphore, #tpu.memory_space<semaphore_mem>>) src(%arg6 : memref<16x1024xf32, #tpu.memory_space<vmem>>) dst(%dma_wait3A_616 : memref<16x1024xf32, #tpu.memory_space<hbm>>)
    %dma_wait3A_617 = arith.constant 0 : i32
    %dma_wait3A_618 = tpu.memref_slice %arg4[%add3A_586, %dma_wait3A_617] : memref<16384x1024xf32, #tpu.memory_space<hbm>> -> memref<16x1024xf32, #tpu.memory_space<hbm>>
    %dma_wait3A_619 = arith.constant 0 : i32
    %dma_wait3A_620 = tpu.memref_slice %arg4[%add3A_586, %dma_wait3A_619] : memref<16384x1024xf32, #tpu.memory_space<hbm>> -> memref<16x1024xf32, #tpu.memory_space<hbm>>
    tpu.wait_dma2 semaphore(%arg21 : memref<!tpu.dma_semaphore, #tpu.memory_space<semaphore_mem>>) src(%arg7 : memref<16x1024xf32, #tpu.memory_space<vmem>>) dst(%dma_wait3A_620 : memref<16x1024xf32, #tpu.memory_space<hbm>>)
    %dma_wait3A_621 = arith.constant 0 : i32
    %dma_wait3A_622 = tpu.memref_slice %arg4[%add3A_597, %dma_wait3A_621] : memref<16384x1024xf32, #tpu.memory_space<hbm>> -> memref<16x1024xf32, #tpu.memory_space<hbm>>
    %dma_wait3A_623 = arith.constant 0 : i32
    %dma_wait3A_624 = tpu.memref_slice %arg4[%add3A_597, %dma_wait3A_623] : memref<16384x1024xf32, #tpu.memory_space<hbm>> -> memref<16x1024xf32, #tpu.memory_space<hbm>>
    tpu.wait_dma2 semaphore(%arg22 : memref<!tpu.dma_semaphore, #tpu.memory_space<semaphore_mem>>) src(%arg8 : memref<16x1024xf32, #tpu.memory_space<vmem>>) dst(%dma_wait3A_624 : memref<16x1024xf32, #tpu.memory_space<hbm>>)
    %dma_wait3A_625 = arith.constant 0 : i32
    %dma_wait3A_626 = tpu.memref_slice %arg4[%add3A_608, %dma_wait3A_625] : memref<16384x1024xf32, #tpu.memory_space<hbm>> -> memref<16x1024xf32, #tpu.memory_space<hbm>>
    %dma_wait3A_627 = arith.constant 0 : i32
    %dma_wait3A_628 = tpu.memref_slice %arg4[%add3A_608, %dma_wait3A_627] : memref<16384x1024xf32, #tpu.memory_space<hbm>> -> memref<16x1024xf32, #tpu.memory_space<hbm>>
    tpu.wait_dma2 semaphore(%arg23 : memref<!tpu.dma_semaphore, #tpu.memory_space<semaphore_mem>>) src(%arg9 : memref<16x1024xf32, #tpu.memory_space<vmem>>) dst(%dma_wait3A_628 : memref<16x1024xf32, #tpu.memory_space<hbm>>)
    %dma_wait3A_629 = arith.constant 0 : i32
    %dma_wait3A_630 = tpu.memref_slice %arg4[%add3A_542, %dma_wait3A_629] : memref<16384x1024xf32, #tpu.memory_space<hbm>> -> memref<16x1024xf32, #tpu.memory_space<hbm>>
    %dma_wait3A_631 = arith.constant 0 : i32
    %dma_wait3A_632 = tpu.memref_slice %arg4[%add3A_542, %dma_wait3A_631] : memref<16384x1024xf32, #tpu.memory_space<hbm>> -> memref<16x1024xf32, #tpu.memory_space<hbm>>
    tpu.wait_dma2 semaphore(%arg24 : memref<!tpu.dma_semaphore, #tpu.memory_space<semaphore_mem>>) src(%arg10 : memref<16x1024xf32, #tpu.memory_space<vmem>>) dst(%dma_wait3A_632 : memref<16x1024xf32, #tpu.memory_space<hbm>>)
    %dma_wait3A_633 = arith.constant 0 : i32
    %dma_wait3A_634 = tpu.memref_slice %arg4[%add3A_553, %dma_wait3A_633] : memref<16384x1024xf32, #tpu.memory_space<hbm>> -> memref<16x1024xf32, #tpu.memory_space<hbm>>
    %dma_wait3A_635 = arith.constant 0 : i32
    %dma_wait3A_636 = tpu.memref_slice %arg4[%add3A_553, %dma_wait3A_635] : memref<16384x1024xf32, #tpu.memory_space<hbm>> -> memref<16x1024xf32, #tpu.memory_space<hbm>>
    tpu.wait_dma2 semaphore(%arg25 : memref<!tpu.dma_semaphore, #tpu.memory_space<semaphore_mem>>) src(%arg11 : memref<16x1024xf32, #tpu.memory_space<vmem>>) dst(%dma_wait3A_636 : memref<16x1024xf32, #tpu.memory_space<hbm>>)
    %dma_wait3A_637 = arith.constant 0 : i32
    %dma_wait3A_638 = tpu.memref_slice %arg4[%add3A_564, %dma_wait3A_637] : memref<16384x1024xf32, #tpu.memory_space<hbm>> -> memref<16x1024xf32, #tpu.memory_space<hbm>>
    %dma_wait3A_639 = arith.constant 0 : i32
    %dma_wait3A_640 = tpu.memref_slice %arg4[%add3A_564, %dma_wait3A_639] : memref<16384x1024xf32, #tpu.memory_space<hbm>> -> memref<16x1024xf32, #tpu.memory_space<hbm>>
    tpu.wait_dma2 semaphore(%arg26 : memref<!tpu.dma_semaphore, #tpu.memory_space<semaphore_mem>>) src(%arg12 : memref<16x1024xf32, #tpu.memory_space<vmem>>) dst(%dma_wait3A_640 : memref<16x1024xf32, #tpu.memory_space<hbm>>)
    return
  }
}

</mosaic_0001>

<sc_bundles>
// kernel: _sc_gather.3.cloned.1.call-start
scs
__scs_entry_jumppad:
0x0: {  	(pc) =	sbr.rel $0x88, $3  }
0x1: {  	(tag) =	ssettag $0x0;
	lr =	simm.s32 $0x1  }
0x2: {  	[smem:$0x3F9F] =	sst lr;
	_ =	strace $0xD0000000  }
0x3: {  	_ = 	snop  }
0x4: {  	_ = 	snop  }
0x5: {  	_ = 	snop  }
0x6: {  	_ = 	snop  }
0x7: {  	_ = 	snop  }
__scs_overlays_trampoline_lowered:
0x8: {  	[smem:$0x3FAE] =	sst s0  }
0x9: {  	[smem:$0x3FAF] =	sst s1  }
0xa: {  	[smem:$0x3FB0] =	sst s2  }
0xb: {  	[smem:$0x3FB1] =	sst s3  }
0xc: {  	[smem:$0x3FB2] =	sst s4  }
0xd: {  	[smem:$0x3FB3] =	sst s5  }
0xe: {  	[smem:$0x3FB4] =	sst s6  }
0xf: {  	[smem:$0x3FB5] =	sst s7  }
0x10: {  	[smem:$0x3FB6] =	sst s8  }
0x11: {  	[smem:$0x3FB7] =	sst s9;
	s0 =	simm.s32 @!p0 $0x0  }
0x12: {  	s1 =	sld [smem:$0x3F9D];
	s0 =	simm.s32 @p0 $0x1  }
0x13: {  	[smem:$0x3FB8] =	sst s0;
	s0 =	simm.s32 @!p1 $0x0  }
0x14: {  	s2 =	sld [smem:$0x3F9C];
	s0 =	simm.s32 @p1 $0x1  }
0x15: {  	[smem:$0x3FB9] =	sst s0;
	s0 =	simm.s32 @!p2 $0x0  }
0x16: {  	s3 =	sld [smem:$0x3FDB];
	s0 =	simm.s32 @p2 $0x1  }
0x17: {  	s4 =	simm.s32 $0x1BF5;
	[smem:$0x3FBB] =	sst s0  }
0x18: {  	s0 =	sld [smem:$0x3F9E];
	_ =	swait.ge [sflag:s4], $0x0  }
0x19: {  	s7 =	sld [smem:$0x3F9F]  }
0x1a: {  	s8 =	sadd.s32 $0xFFFFE003, lr  }
0x1b: {  	s9 =	sadd.s32 $0xFFFFFEF7, lr;
	s5 =	simm.s32 $0xFFFFFFFF;
	p2 =	slt.u32 s8, $0xFFFFF086  }
0x1c: {  	p1 =	slt.u32 s9, $0xF7A;
	s5 =	simm.s32 @!p2 $0x0  }
0x1d: {  	s5 =	simm.s32 @p1 $0x1;
	p0 =	seq.s32 s7, s2  }
0x1e: {  	s7 =	smul.u32 @!p0 $0xF7A, s2;
	p2 =	seq.s32 @!p0 s5, $0x0  }
0x1f: {  	s9 =	smul.u32 $0xF7A, s1;
	s8 =	simm.s32 @!p0 $0x1BF5;
	p2 =	por !p2, p0  }
0x20: {  	[sflag:s8] =	ssyncset.s32 @!p0 $0xFFFFF086;
	s6 =	sadd.s32 @!p0 s3, s7;
	s7 =	simm.s32 @!p0 $0x108  }
0x21: {  	s3 =	sadd.s32 s3, s9;
	s6 =	sadd.s32 @!p0 $0x88, s6;
	s7 =	simm.s32 @p2 $0x1082  }
0x22: {  	[simem:s7], [sflag:s8] =	dma.local @!p0 [hbm:s6], $0xF7A  }
0x23: {  	s9 =	sor.u32 $0xD0000000, s2;
	s6 =	simm.s32 $0x108;
	_ =	swait.ge @!p0 [sflag:s8], $0x0  }
0x24: {  	s3 =	sadd.s32 $0x88, s3;
	s6 =	simm.s32 @!p1 $0x1082;
	[sflag:s4] =	ssyncset.s32 $0xFFFFF086  }
0x25: {  	[simem:s6], [sflag:s4] =	dma.local [hbm:s3], $0xF7A  }
0x26: {  	[smem:$0x3F9F] =	sst s1;
	(tag) =	ssettag s2;
	_ =	strace s9  }
0x27: {  	s1 =	sld [smem:$0x3FAF]  }
0x28: {  	s2 =	sld [smem:$0x3FB0]  }
0x29: {  	s4 =	sld [smem:$0x3FB2]  }
0x2a: {  	p0 =	seq.s32 s5, $0x0;
	s5 =	sld [smem:$0x3FB3]  }
0x2b: {  	s6 =	sld [smem:$0x3FB4]  }
0x2c: {  	s7 =	sld [smem:$0x3FB5]  }
0x2d: {  	s3 =	simm.s32 $0x108;
	s8 =	sld [smem:$0x3FB6]  }
0x2e: {  	s3 =	simm.s32 @!p0 $0x1082;
	s9 =	sld [smem:$0x3FB7]  }
0x2f: {  	lr =	sadd.s32 s0, s3;
	s0 =	sld [smem:$0x3FAE]  }
0x30: {  	s3 =	sld [smem:$0x3FB1]  }
0x31: {  	[smem:$0x3FBA] =	sst s10  }
0x32: {  	s10 =	sld [smem:$0x3FB8];
	_ =	sdelay $0x3  }
0x33: {  	p0 =	seq.s32 s10, $0x1;
	s10 =	sld [smem:$0x3FBA];
	_ =	sdelay $0x3  }
0x34: {  	[smem:$0x3FBA] =	sst s10  }
0x35: {  	s10 =	sld [smem:$0x3FB9];
	_ =	sdelay $0x3  }
0x36: {  	p1 =	seq.s32 s10, $0x1;
	s10 =	sld [smem:$0x3FBA];
	_ =	sdelay $0x3  }
0x37: {  	[smem:$0x3FBA] =	sst s10  }
0x38: {  	s10 =	sld [smem:$0x3FBB]  }
0x39: {  	_ = 	snop;
	(pc) =	sbr.ind lr, $3  }
0x3a: {  	_ = 	snop  }
0x3b: {  	_ = 	snop  }
0x3c: {  	p2 =	seq.s32 s10, $0x1;
	s10 =	sld [smem:$0x3FBA]  }
0x3d: {  	_ =	shalt  }
0x3e: {  	_ =	shalt  }
0x3f: {  	_ =	shalt  }
0x40: {  	_ =	shalt  }
0x41: {  	_ =	shalt  }
0x42: {  	_ =	shalt  }
0x43: {  	_ =	shalt  }
0x44: {  	_ =	shalt  }
0x45: {  	_ =	shalt  }
0x46: {  	_ =	shalt  }
0x47: {  	_ =	shalt  }
0x48: {  	_ =	shalt  }
0x49: {  	_ =	shalt  }
0x4a: {  	_ =	shalt  }
0x4b: {  	_ =	shalt  }
0x4c: {  	_ =	shalt  }
0x4d: {  	_ =	shalt  }
0x4e: {  	_ =	shalt  }
0x4f: {  	_ =	shalt  }
0x50: {  	_ =	shalt  }
0x51: {  	_ =	shalt  }
0x52: {  	_ =	shalt  }
0x53: {  	_ =	shalt  }
0x54: {  	_ =	shalt  }
0x55: {  	_ =	shalt  }
0x56: {  	_ =	shalt  }
0x57: {  	_ =	shalt  }
0x58: {  	_ =	shalt  }
0x59: {  	_ =	shalt  }
0x5a: {  	_ =	shalt  }
0x5b: {  	_ =	shalt  }
0x5c: {  	_ =	shalt  }
0x5d: {  	_ =	shalt  }
0x5e: {  	_ =	shalt  }
0x5f: {  	_ =	shalt  }
0x60: {  	_ =	shalt  }
0x61: {  	_ =	shalt  }
0x62: {  	_ =	shalt  }
0x63: {  	_ =	shalt  }
0x64: {  	_ =	shalt  }
0x65: {  	_ =	shalt  }
0x66: {  	_ =	shalt  }
0x67: {  	_ =	shalt  }
0x68: {  	_ =	shalt  }
0x69: {  	_ =	shalt  }
0x6a: {  	_ =	shalt  }
0x6b: {  	_ =	shalt  }
0x6c: {  	_ =	shalt  }
0x6d: {  	_ =	shalt  }
0x6e: {  	_ =	shalt  }
0x6f: {  	_ =	shalt  }
0x70: {  	_ =	shalt  }
0x71: {  	_ =	shalt  }
0x72: {  	_ =	shalt  }
0x73: {  	_ =	shalt  }
0x74: {  	_ =	shalt  }
0x75: {  	_ =	shalt  }
0x76: {  	_ =	shalt  }
0x77: {  	_ =	shalt  }
0x78: {  	_ =	shalt  }
0x79: {  	_ =	shalt  }
0x7a: {  	_ =	shalt  }
0x7b: {  	_ =	shalt  }
0x7c: {  	_ =	shalt  }
0x7d: {  	_ =	shalt  }
0x7e: {  	_ =	shalt  }
0x7f: {  	_ =	shalt  }
0x80: {  	_ =	shalt  }
0x81: {  	_ =	shalt  }
0x82: {  	_ =	shalt  }
0x83: {  	_ =	shalt  }
0x84: {  	_ =	shalt  }
0x85: {  	_ =	shalt  }
0x86: {  	_ =	shalt  }
0x87: {  	_ =	shalt  }
.Lfunc_end0:
.L_simem_size_0:
called_computation_lowered:
.L_overlay_start_0:
0x88: {  	s2 =	sld [smem:$0x3FD9]  }
0x89: {  	s3 =	sld [smem:$0x3FFE];
	_ =	sdelay $0x1  }
0x8a: {  	s1 =	srdreg.scid  }
0x8b: {  	s0 =	sand.u32 $0x1, s1  }
0x8c: {  	s18 =	sshll.u32 s0, $0xA;
	s2 =	sadd.s32 s3, s2  }
0x8d: {  	s2 =	sadd.s32 s2, s18  }
0x8e: {  	[smem:$0x3FC6] =	sst s2  }
0x8f: {  	_ = 	snop  }
0x90: {  	s2 =	sld [smem:$0x3FC9]  }
0x91: {  	s19 =	sld [smem:$0x3FC8]  }
0x92: {  	s4 =	sld [smem:$0x3FD0];
	(tm) =	ssettm $0x1  }
0x93: {  	s5 =	sld [smem:$0x3FFB];
	_ =	sdelay $0x3  }
0x94: {  	_ =	strace s5  }
0x95: {  	s5 =	sld [smem:$0x3FFC];
	_ =	sdelay $0x3  }
0x96: {  	_ =	strace s5  }
0x97: {  	s5 =	sld [smem:$0x3FFD];
	_ =	sdelay $0x3  }
0x98: {  	_ =	strace s5  }
0x99: {  	_ =	strace $0x8FFFFFFF  }
0x9a: {  	s20 =	sld [smem:$0x3FDB];
	_ =	sdelay $0x1  }
0x9b: {  	s6 =	simm.s32 $_scs_section_size  }
0x9c: {  	s7 =	simm.s32 $_size__tile_overlayer_lowered;
	s8 =	simm.s32 $_tile_overlayer_lowered  }
0x9d: {  	s23 =	simm.s32 $0x1BFF;
	s22 =	sshll.u32 s8, $0x1;
	s5 =	sadd.s32 s6, s20  }
0x9e: {  	s9 =	simm.s32 $0x0;
	s21 =	sshll.u32 s7, $0x1;
	s7 =	sadd.s32 s22, s5  }
0x9f: {  	[timem:s9], [sflag:s23] =	dma.local [hbm:s7], s21  }
0xa0: {  	_ =	swait.ge [sflag:s23], s21  }
0xa1: {  	s6 =	ssub.s32 $0x0, s21;
	[sflag:s23] =	ssyncset.done $0x0  }
0xa2: {  	[sflag:s23] =	ssyncadd.s32 s6;
	_ =	sdelay $0x1  }
0xa3: {  	s24 =	simm.s32 $0x1B8B  }
0xa4: {  	_ =	swait.ge [sflag:s24], $0x1  }
0xa5: {  	[sflag:s24] =	ssyncset.done $0x0  }
0xa6: {  	s25 =	simm.s32 $0x1B8E;
	[sflag:s24] =	ssyncadd.s32 $0xFFFFFFFF  }
0xa7: {  	s26 =	simm.s32 $execute0_lowered;
	[smem:$0x3FD2] =	sst s25  }
0xa8: {  	s6 =	sshll.u32 s26, $0x1;
	_ =	strace $0x80000046;
	[dreg:$0x1] =	wrdreg $0xFFFFFFFF  }
0xa9: {  	s28 =	simm.s32 $_size_execute0_lowered;
	s5 =	sadd.s32 s5, s6;
	[dreg:$0x0] =	wrdreg $0x0  }
0xaa: {  	s6 =	sshll.u32 s28, $0x1;
	[dreg:$0x2] =	wrdreg s5  }
0xab: {  	[dreg:$0x3] =	wrdreg s6  }
0xac: {  	[dreg:$0x4] =	wrdreg $0xC0  }
0xad: {  	_ =	task [dreg:s9], $0x5FFFF  }
0xae: {  	[dreg:$0x1] =	wrdreg $0xFFFFFFFF  }
0xaf: {  	[dreg:$0x0] =	wrdreg $0x60  }
0xb0: {  	[dreg:$0x2] =	wrdreg s2  }
0xb1: {  	[dreg:$0x3] =	wrdreg s19  }
0xb2: {  	[dreg:$0x4] =	wrdreg s4  }
0xb3: {  	[dreg:$0x5] =	wrdreg $0x9  }
0xb4: {  	_ =	task.clear_ibuf [dreg:s9], $0x6FFFF;
	_ =	strace $0x90000046  }
0xb5: {  	s29 =	simm.s32 $0x9;
	_ =	strace $0x80000048  }
0xb6: {  	_ =	swait.ge [sflag:s29], $0x1  }
0xb7: {  	[sflag:s29] =	ssyncadd.s32 $0xFFFFFFFF  }
0xb8: {  	_ =	strace $0x90000048  }
0xb9: {  	_ =	sfence  }
0xba: {  	s30 =	sld [smem:$0x0];
	_ =	sdelay $0x2  }
0xbb: {  	s31 =	sshll.u32 s1, $0xD;
	s1 =	sshrl.u32 s1, $0x2  }
0xbc: {  	s3 =	sand.u32 $0x4000, s31;
	s1 =	sadd.s32 s1, s30  }
0xbd: {  	s0 =	sor.u32 s3, s0;
	s1 =	sshll.u32 s1, $0x11  }
0xbe: {  	s0 =	sor.u32 s1, s0  }
0xbf: {  	s0 =	sadd.s32 $0x8F2B, s0  }
0xc0: {  	[sflag:s0] =	ssyncadd.remote.s32 $0x1  }
0xc1: {  	_ =	sfence.sel $0xFFFF  }
0xc2: {  	[dreg:$0x0] =	wrdreg $0xFFFFFFFF;
	(pc) =	sbr.abs _section_cstart, $3  }
0xc3: {  	[dreg:$0x1] =	wrdreg $0xFFFFFFFF  }
0xc4: {  	_ =	task.clear_ibuf [dreg:s9], $0x2FFFF;
	_ =	strace $0x9FFFFFFF  }
0xc5: {  	(tm) =	ssettm $0x7FFFFFFF  }
tec
execute0_lowered:
.L_overlay_start_1:
0x0: {  	(tag) =	ssettag $0x1  }
0x1: {  	s0 =	srdreg.scid  }
0x2: {  	s3 =	stileid.u32;
	s0 =	sand.u32 $0x1, s0  }
0x3: {  	s1 =	rddreg [dreg:$0x0];
	s5 =	sshll.u32 s3, $0xA;
	s6 =	sshll.u32 s0, $0x9  }
0x4: {  	s2 =	rddreg [dreg:$0x1];
	s5 =	sor.u32 s6, s5  }
0x5: {  	s4 =	rddreg [dreg:$0x2];
	s3 =	simm.s32 $0x0;
	s6 =	sshrl.u32 s5, $0x3  }
0x6: {  	[smem:$0x7FF] =	sst s3;
	s5 =	sshll.u32 s5, $0x7;
	s2 =	sadd.s32 s2, s6  }
0x7: {  	_ =	strace $0x80000047;
	s6 =	sadd.s32 s4, s5;
	[dreg:$0x4] =	wrdreg s2  }
0x8: {  	s17 =	sadd.s32 $0x800, s6;
	[smem:$0x7FC] =	sst s6  }
0x9: {  	s18 =	sadd.s32 $0x1000, s6;
	[dreg:$0x5] =	wrdreg s17  }
0xa: {  	s19 =	sadd.s32 $0x1800, s6;
	[dreg:$0x6] =	wrdreg s18  }
0xb: {  	s20 =	sadd.s32 $0x2000, s6;
	[dreg:$0x7] =	wrdreg s19  }
0xc: {  	s21 =	sadd.s32 $0x2800, s6;
	[dreg:$0x8] =	wrdreg s20  }
0xd: {  	s22 =	sadd.s32 $0x3000, s6;
	[dreg:$0x9] =	wrdreg s21  }
0xe: {  	s23 =	sadd.s32 $0x3800, s6;
	[dreg:$0xa] =	wrdreg s22  }
0xf: {  	s24 =	sadd.s32 $0x4000, s6;
	[dreg:$0xb] =	wrdreg s23  }
0x10: {  	s25 =	sadd.s32 $0x4800, s6;
	[dreg:$0xc] =	wrdreg s24  }
0x11: {  	s26 =	sadd.s32 $0x5000, s6;
	[dreg:$0xd] =	wrdreg s25  }
0x12: {  	s4 =	sadd.s32 $0x5800, s6;
	[dreg:$0xe] =	wrdreg s26  }
0x13: {  	s5 =	sadd.s32 $0x6000, s6;
	[dreg:$0xf] =	wrdreg s4  }
0x14: {  	s7 =	sadd.s32 $0x6800, s6;
	[dreg:$0x10] =	wrdreg s5  }
0x15: {  	s8 =	sadd.s32 $0x7000, s6;
	[dreg:$0x11] =	wrdreg s7  }
0x16: {  	s9 =	sadd.s32 $0x7800, s6;
	[dreg:$0x12] =	wrdreg s8  }
0x17: {  	s10 =	sadd.s32 $0x8000, s6;
	[dreg:$0x13] =	wrdreg s9  }
0x18: {  	s11 =	sadd.s32 $0x8800, s6;
	[dreg:$0x14] =	wrdreg s10  }
0x19: {  	s12 =	sadd.s32 $0x9000, s6;
	[dreg:$0x15] =	wrdreg s11  }
0x1a: {  	s13 =	sadd.s32 $0x9800, s6;
	[dreg:$0x16] =	wrdreg s12  }
0x1b: {  	s14 =	sadd.s32 $0xA000, s6;
	[dreg:$0x17] =	wrdreg s13  }
0x1c: {  	s15 =	sadd.s32 $0xA800, s6;
	[dreg:$0x18] =	wrdreg s14  }
0x1d: {  	s28 =	simm.s32 $0x3;
	s16 =	sadd.s32 $0xB000, s6;
	[dreg:$0x19] =	wrdreg s15  }
0x1e: {  	s29 =	simm.s32 $0xA;
	[dreg:$0x1a] =	wrdreg s16;
	s17 =	sadd.s32 $0xB800, s6  }
0x1f: {  	s30 =	simm.s32 $0x4;
	s18 =	sadd.s32 $0xC000, s6;
	[dreg:$0x1b] =	wrdreg s17  }
0x20: {  	s31 =	simm.s32 $0xB;
	s19 =	sadd.s32 $0xC800, s6;
	[dreg:$0x1c] =	wrdreg s18  }
0x21: {  	s0 =	ssub.s32 $0x2, s0;
	s20 =	sadd.s32 $0xD000, s6;
	[dreg:$0x1d] =	wrdreg s19  }
0x22: {  	s21 =	sadd.s32 $0xD800, s6;
	s22 =	sadd.s32 $0xE000, s6;
	[dreg:$0x1e] =	wrdreg s20  }
0x23: {  	s23 =	sshrl.u32 s0, $0x1;
	s24 =	sadd.s32 $0xE800, s6;
	[dreg:$0x1f] =	wrdreg s21  }
0x24: {  	s25 =	sadd.s32 $0xF000, s6;
	s5 =	sadd.s32 $0x100, s1;
	[smem:$0x7F9] =	sst s22  }
0x25: {  	s26 =	sadd.s32 $0xF800, s6;
	s6 =	sadd.s32 $0x200, s1;
	[smem:$0x7FA] =	sst s24  }
0x26: {  	v2 =	vlaneseq.u32;
	s7 =	sadd.s32 $0x300, s1;
	s0 =	ssub.s32 s0, s23;
	[smem:$0x7FB] =	sst s25  }
0x27: {  	vm0 =	vmmov $0xffff;
	v1 =	vshrl.u32 v2, $0x3;
	[smem:$0x7FD] =	sst s26;
	s22 =	simm.s32 $0x1;
	s23 =	simm.s32 $0x8  }
0x28: {  	v0 =	vand.u32 $0x7, v2;
	v2 =	vor.u32 $0x8, v2;
	v1 =	vmul.u32 $0x8, v1;
	s24 =	simm.s32 $0x2;
	s25 =	simm.s32 $0x9;
	s4 =	smax.u32 s0, $0x1  }
.LBB2_1:
0x29: {  	s14 =	rddreg [dreg:$0x4];
	s20 =	simm.s32 $0xF  }
0x2a: {  	[tilespmem:s3], [sflag:$0xF] =	stream.linear.gather [hbm4b:s14+s3], $0x200, $0x38;
	[tilespmem:$0x1C200] =	vst v63  }
0x2b: {  	_ =	swait.ge [sflag:s20], $0x200  }
0x2c: {  	[sflag:s20] =	ssyncset.done $0x0  }
0x2d: {  	[sflag:s20] =	ssyncadd.s32 $0xFFFFFE00  }
0x2e: {  	v3 =	vld [tilespmem:$0x0];
	_ =	sdelay $0x4  }
0x2f: {  	v4 =	vshll.u32 v3, $0x3  }
0x30: {  	v3 =	vand.u32 $0x7, v3;
	v4 =	vand.u32 $0xFFFFFFC0, v4  }
0x31: {  	v3 =	vor.u32 v3, v4  }
0x32: {  	v4 =	vperm.xlane v3, v0;
	_ =	sdelay $0x1  }
0x33: {  	v4 =	vadd.s32 v1, v4;
	_ =	sdelay $0x3  }
0x34: {  	s2 =	simm.s32 $0x200  }
0x35: {  	[tilespmem:s2], [sflag:$0x1] =	stream.indirect_vreg.gather [hbm4b:s1+s3], $0x80, v4, vm0, $0xb8;
	[tilespmem:$0x1C200] =	vst v63  }
0x36: {  	s0 =	simm.s32 $0xA00;
	v3 =	vperm.xlane v3, v2  }
0x37: {  	[tilespmem:s0], [sflag:$0x1] =	stream.indirect_vreg.gather [hbm4b:s5+s3], $0x80, v4, vm0, $0xb8;
	[tilespmem:$0x1C200] =	vst v63  }
0x38: {  	s21 =	simm.s32 $0x1200;
	v3 =	vadd.s32 v1, v3  }
0x39: {  	[tilespmem:s21], [sflag:$0x1] =	stream.indirect_vreg.gather [hbm4b:s6+s3], $0x80, v4, vm0, $0xb8;
	[tilespmem:$0x1C200] =	vst v63  }
0x3a: {  	s26 =	simm.s32 $0x1A00  }
0x3b: {  	[tilespmem:s26], [sflag:$0x1] =	stream.indirect_vreg.gather [hbm4b:s7+s3], $0x80, v4, vm0, $0xb8;
	[tilespmem:$0x1C200] =	vst v63  }
0x3c: {  	s2 =	simm.s32 $0x2200  }
0x3d: {  	[tilespmem:s2], [sflag:$0x1] =	stream.indirect_vreg.gather [hbm4b:s1+s3], $0x80, v3, vm0, $0xb8;
	[tilespmem:$0x1C200] =	vst v63  }
0x3e: {  	s8 =	simm.s32 $0x2A00  }
0x3f: {  	[tilespmem:s8], [sflag:$0x1] =	stream.indirect_vreg.gather [hbm4b:s5+s3], $0x80, v3, vm0, $0xb8;
	[tilespmem:$0x1C200] =	vst v63  }
0x40: {  	s10 =	simm.s32 $0x3200  }
0x41: {  	[tilespmem:s10], [sflag:$0x1] =	stream.indirect_vreg.gather [hbm4b:s6+s3], $0x80, v3, vm0, $0xb8;
	[tilespmem:$0x1C200] =	vst v63  }
0x42: {  	s11 =	simm.s32 $0x3A00  }
0x43: {  	[tilespmem:s11], [sflag:$0x1] =	stream.indirect_vreg.gather [hbm4b:s7+s3], $0x80, v3, vm0, $0xb8;
	[tilespmem:$0x1C200] =	vst v63  }
0x44: {  	v3 =	vld [tilespmem:$0x10];
	_ =	sdelay $0x4  }
0x45: {  	v33 =	vshll.u32 v3, $0x3  }
0x46: {  	v3 =	vand.u32 $0x7, v3;
	v4 =	vand.u32 $0xFFFFFFC0, v33  }
0x47: {  	v3 =	vor.u32 v3, v4  }
0x48: {  	v4 =	vperm.xlane v3, v0;
	_ =	sdelay $0x1  }
0x49: {  	v4 =	vadd.s32 v1, v4;
	_ =	sdelay $0x3  }
0x4a: {  	s12 =	simm.s32 $0x4200  }
0x4b: {  	[tilespmem:s12], [sflag:$0x2] =	stream.indirect_vreg.gather [hbm4b:s1+s3], $0x80, v4, vm0, $0xb8;
	[tilespmem:$0x1C200] =	vst v63  }
0x4c: {  	s13 =	simm.s32 $0x4A00;
	v3 =	vperm.xlane v3, v2  }
0x4d: {  	[tilespmem:s13], [sflag:$0x2] =	stream.indirect_vreg.gather [hbm4b:s5+s3], $0x80, v4, vm0, $0xb8;
	[tilespmem:$0x1C200] =	vst v63  }
0x4e: {  	s14 =	simm.s32 $0x5200;
	v3 =	vadd.s32 v1, v3  }
0x4f: {  	[tilespmem:s14], [sflag:$0x2] =	stream.indirect_vreg.gather [hbm4b:s6+s3], $0x80, v4, vm0, $0xb8;
	[tilespmem:$0x1C200] =	vst v63  }
0x50: {  	s20 =	simm.s32 $0x5A00  }
0x51: {  	[tilespmem:s20], [sflag:$0x2] =	stream.indirect_vreg.gather [hbm4b:s7+s3], $0x80, v4, vm0, $0xb8;
	[tilespmem:$0x1C200] =	vst v63  }
0x52: {  	s26 =	simm.s32 $0x6200  }
0x53: {  	[tilespmem:s26], [sflag:$0x2] =	stream.indirect_vreg.gather [hbm4b:s1+s3], $0x80, v3, vm0, $0xb8;
	[tilespmem:$0x1C200] =	vst v63  }
0x54: {  	s2 =	simm.s32 $0x6A00  }
0x55: {  	[tilespmem:s2], [sflag:$0x2] =	stream.indirect_vreg.gather [hbm4b:s5+s3], $0x80, v3, vm0, $0xb8;
	[tilespmem:$0x1C200] =	vst v63  }
0x56: {  	s8 =	simm.s32 $0x7200  }
0x57: {  	[tilespmem:s8], [sflag:$0x2] =	stream.indirect_vreg.gather [hbm4b:s6+s3], $0x80, v3, vm0, $0xb8;
	[tilespmem:$0x1C200] =	vst v63  }
0x58: {  	s10 =	simm.s32 $0x7A00  }
0x59: {  	[tilespmem:s10], [sflag:$0x2] =	stream.indirect_vreg.gather [hbm4b:s7+s3], $0x80, v3, vm0, $0xb8;
	[tilespmem:$0x1C200] =	vst v63  }
0x5a: {  	v3 =	vld [tilespmem:$0x20];
	_ =	sdelay $0x4  }
0x5b: {  	v34 =	vshll.u32 v3, $0x3  }
0x5c: {  	v3 =	vand.u32 $0x7, v3;
	v4 =	vand.u32 $0xFFFFFFC0, v34  }
0x5d: {  	v3 =	vor.u32 v3, v4  }
0x5e: {  	v4 =	vperm.xlane v3, v0;
	_ =	sdelay $0x1  }
0x5f: {  	v4 =	vadd.s32 v1, v4;
	_ =	sdelay $0x3  }
0x60: {  	s12 =	simm.s32 $0x8200  }
0x61: {  	[tilespmem:s12], [sflag:$0x3] =	stream.indirect_vreg.gather [hbm4b:s1+s3], $0x80, v4, vm0, $0xb8;
	[tilespmem:$0x1C200] =	vst v63  }
0x62: {  	s13 =	simm.s32 $0x8A00;
	v3 =	vperm.xlane v3, v2  }
0x63: {  	[tilespmem:s13], [sflag:$0x3] =	stream.indirect_vreg.gather [hbm4b:s5+s3], $0x80, v4, vm0, $0xb8;
	[tilespmem:$0x1C200] =	vst v63  }
0x64: {  	s14 =	simm.s32 $0x9200;
	v3 =	vadd.s32 v1, v3  }
0x65: {  	[tilespmem:s14], [sflag:$0x3] =	stream.indirect_vreg.gather [hbm4b:s6+s3], $0x80, v4, vm0, $0xb8;
	[tilespmem:$0x1C200] =	vst v63  }
0x66: {  	s26 =	simm.s32 $0x9A00  }
0x67: {  	[tilespmem:s26], [sflag:$0x3] =	stream.indirect_vreg.gather [hbm4b:s7+s3], $0x80, v4, vm0, $0xb8;
	[tilespmem:$0x1C200] =	vst v63  }
0x68: {  	s0 =	simm.s32 $0xA200  }
0x69: {  	[tilespmem:s0], [sflag:$0x3] =	stream.indirect_vreg.gather [hbm4b:s1+s3], $0x80, v3, vm0, $0xb8;
	[tilespmem:$0x1C200] =	vst v63  }
0x6a: {  	s8 =	simm.s32 $0xAA00  }
0x6b: {  	[tilespmem:s8], [sflag:$0x3] =	stream.indirect_vreg.gather [hbm4b:s5+s3], $0x80, v3, vm0, $0xb8;
	[tilespmem:$0x1C200] =	vst v63  }
0x6c: {  	s10 =	simm.s32 $0xB200  }
0x6d: {  	[tilespmem:s10], [sflag:$0x3] =	stream.indirect_vreg.gather [hbm4b:s6+s3], $0x80, v3, vm0, $0xb8;
	[tilespmem:$0x1C200] =	vst v63  }
0x6e: {  	s12 =	simm.s32 $0xBA00  }
0x6f: {  	[tilespmem:s12], [sflag:$0x3] =	stream.indirect_vreg.gather [hbm4b:s7+s3], $0x80, v3, vm0, $0xb8;
	[tilespmem:$0x1C200] =	vst v63  }
0x70: {  	v3 =	vld [tilespmem:$0x30];
	_ =	sdelay $0x4  }
0x71: {  	v35 =	vshll.u32 v3, $0x3  }
0x72: {  	v3 =	vand.u32 $0x7, v3;
	v4 =	vand.u32 $0xFFFFFFC0, v35  }
0x73: {  	v3 =	vor.u32 v3, v4  }
0x74: {  	v4 =	vperm.xlane v3, v0;
	_ =	sdelay $0x1  }
0x75: {  	v4 =	vadd.s32 v1, v4;
	_ =	sdelay $0x3  }
0x76: {  	s13 =	simm.s32 $0xC200  }
0x77: {  	[tilespmem:s13], [sflag:$0x4] =	stream.indirect_vreg.gather [hbm4b:s1+s3], $0x80, v4, vm0, $0xb8;
	[tilespmem:$0x1C200] =	vst v63  }
0x78: {  	s10 =	simm.s32 $0xCA00;
	v3 =	vperm.xlane v3, v2  }
0x79: {  	[tilespmem:s10], [sflag:$0x4] =	stream.indirect_vreg.gather [hbm4b:s5+s3], $0x80, v4, vm0, $0xb8;
	[tilespmem:$0x1C200] =	vst v63  }
0x7a: {  	s14 =	simm.s32 $0xD200;
	v3 =	vadd.s32 v1, v3  }
0x7b: {  	[tilespmem:s14], [sflag:$0x4] =	stream.indirect_vreg.gather [hbm4b:s6+s3], $0x80, v4, vm0, $0xb8;
	[tilespmem:$0x1C200] =	vst v63  }
0x7c: {  	s26 =	simm.s32 $0xDA00  }
0x7d: {  	[tilespmem:s26], [sflag:$0x4] =	stream.indirect_vreg.gather [hbm4b:s7+s3], $0x80, v4, vm0, $0xb8;
	[tilespmem:$0x1C200] =	vst v63  }
0x7e: {  	s0 =	simm.s32 $0xE200  }
0x7f: {  	[tilespmem:s0], [sflag:$0x4] =	stream.indirect_vreg.gather [hbm4b:s1+s3], $0x80, v3, vm0, $0xb8;
	[tilespmem:$0x1C200] =	vst v63  }
0x80: {  	s2 =	simm.s32 $0xEA00  }
0x81: {  	[tilespmem:s2], [sflag:$0x4] =	stream.indirect_vreg.gather [hbm4b:s5+s3], $0x80, v3, vm0, $0xb8;
	[tilespmem:$0x1C200] =	vst v63  }
0x82: {  	s8 =	simm.s32 $0xF200  }
0x83: {  	[tilespmem:s8], [sflag:$0x4] =	stream.indirect_vreg.gather [hbm4b:s6+s3], $0x80, v3, vm0, $0xb8;
	[tilespmem:$0x1C200] =	vst v63  }
0x84: {  	s12 =	simm.s32 $0xFA00  }
0x85: {  	[tilespmem:s12], [sflag:$0x4] =	stream.indirect_vreg.gather [hbm4b:s7+s3], $0x80, v3, vm0, $0xb8;
	[tilespmem:$0x1C200] =	vst v63  }
0x86: {  	v3 =	vld [tilespmem:$0x40];
	_ =	sdelay $0x4  }
0x87: {  	v36 =	vshll.u32 v3, $0x3  }
0x88: {  	v3 =	vand.u32 $0x7, v3;
	v4 =	vand.u32 $0xFFFFFFC0, v36  }
0x89: {  	v3 =	vor.u32 v3, v4  }
0x8a: {  	v4 =	vperm.xlane v3, v0;
	_ =	sdelay $0x1  }
0x8b: {  	v4 =	vadd.s32 v1, v4;
	_ =	sdelay $0x3  }
0x8c: {  	s13 =	simm.s32 $0x10200  }
0x8d: {  	[tilespmem:s13], [sflag:$0x5] =	stream.indirect_vreg.gather [hbm4b:s1+s3], $0x80, v4, vm0, $0xb8;
	[tilespmem:$0x1C200] =	vst v63  }
0x8e: {  	s14 =	simm.s32 $0x10A00;
	v3 =	vperm.xlane v3, v2  }
0x8f: {  	[tilespmem:s14], [sflag:$0x5] =	stream.indirect_vreg.gather [hbm4b:s5+s3], $0x80, v4, vm0, $0xb8;
	[tilespmem:$0x1C200] =	vst v63  }
0x90: {  	s26 =	simm.s32 $0x11200;
	v3 =	vadd.s32 v1, v3  }
0x91: {  	[tilespmem:s26], [sflag:$0x5] =	stream.indirect_vreg.gather [hbm4b:s6+s3], $0x80, v4, vm0, $0xb8;
	[tilespmem:$0x1C200] =	vst v63  }
0x92: {  	s8 =	simm.s32 $0x11A00  }
0x93: {  	[tilespmem:s8], [sflag:$0x5] =	stream.indirect_vreg.gather [hbm4b:s7+s3], $0x80, v4, vm0, $0xb8;
	[tilespmem:$0x1C200] =	vst v63  }
0x94: {  	s10 =	simm.s32 $0x12200  }
0x95: {  	[tilespmem:s10], [sflag:$0x5] =	stream.indirect_vreg.gather [hbm4b:s1+s3], $0x80, v3, vm0, $0xb8;
	[tilespmem:$0x1C200] =	vst v63  }
0x96: {  	s13 =	simm.s32 $0x12A00  }
0x97: {  	[tilespmem:s13], [sflag:$0x5] =	stream.indirect_vreg.gather [hbm4b:s5+s3], $0x80, v3, vm0, $0xb8;
	[tilespmem:$0x1C200] =	vst v63  }
0x98: {  	s14 =	simm.s32 $0x13200  }
0x99: {  	[tilespmem:s14], [sflag:$0x5] =	stream.indirect_vreg.gather [hbm4b:s6+s3], $0x80, v3, vm0, $0xb8;
	[tilespmem:$0x1C200] =	vst v63  }
0x9a: {  	s8 =	simm.s32 $0x13A00  }
0x9b: {  	[tilespmem:s8], [sflag:$0x5] =	stream.indirect_vreg.gather [hbm4b:s7+s3], $0x80, v3, vm0, $0xb8;
	[tilespmem:$0x1C200] =	vst v63  }
0x9c: {  	v3 =	vld [tilespmem:$0x50];
	_ =	sdelay $0x4  }
0x9d: {  	v37 =	vshll.u32 v3, $0x3  }
0x9e: {  	v3 =	vand.u32 $0x7, v3;
	v4 =	vand.u32 $0xFFFFFFC0, v37  }
0x9f: {  	v3 =	vor.u32 v3, v4  }
0xa0: {  	v4 =	vperm.xlane v3, v0;
	_ =	sdelay $0x1  }
0xa1: {  	v4 =	vadd.s32 v1, v4;
	_ =	sdelay $0x3  }
0xa2: {  	s14 =	simm.s32 $0x14200  }
0xa3: {  	[tilespmem:s14], [sflag:$0x6] =	stream.indirect_vreg.gather [hbm4b:s1+s3], $0x80, v4, vm0, $0xb8;
	[tilespmem:$0x1C200] =	vst v63  }
0xa4: {  	v3 =	vperm.xlane v3, v2;
	s14 =	simm.s32 $0x14A00  }
0xa5: {  	[tilespmem:s14], [sflag:$0x6] =	stream.indirect_vreg.gather [hbm4b:s5+s3], $0x80, v4, vm0, $0xb8;
	[tilespmem:$0x1C200] =	vst v63  }
0xa6: {  	v3 =	vadd.s32 v1, v3;
	s14 =	simm.s32 $0x15200  }
0xa7: {  	[tilespmem:s14], [sflag:$0x6] =	stream.indirect_vreg.gather [hbm4b:s6+s3], $0x80, v4, vm0, $0xb8;
	[tilespmem:$0x1C200] =	vst v63  }
0xa8: {  	s14 =	simm.s32 $0x15A00  }
0xa9: {  	[tilespmem:s14], [sflag:$0x6] =	stream.indirect_vreg.gather [hbm4b:s7+s3], $0x80, v4, vm0, $0xb8;
	[tilespmem:$0x1C200] =	vst v63  }
0xaa: {  	s14 =	simm.s32 $0x16200  }
0xab: {  	[tilespmem:s14], [sflag:$0x6] =	stream.indirect_vreg.gather [hbm4b:s1+s3], $0x80, v3, vm0, $0xb8;
	[tilespmem:$0x1C200] =	vst v63  }
0xac: {  	s14 =	simm.s32 $0x16A00  }
0xad: {  	[tilespmem:s14], [sflag:$0x6] =	stream.indirect_vreg.gather [hbm4b:s5+s3], $0x80, v3, vm0, $0xb8;
	[tilespmem:$0x1C200] =	vst v63  }
0xae: {  	s14 =	simm.s32 $0x17200  }
0xaf: {  	[tilespmem:s14], [sflag:$0x6] =	stream.indirect_vreg.gather [hbm4b:s6+s3], $0x80, v3, vm0, $0xb8;
	[tilespmem:$0x1C200] =	vst v63  }
0xb0: {  	s14 =	simm.s32 $0x17A00  }
0xb1: {  	[tilespmem:s14], [sflag:$0x6] =	stream.indirect_vreg.gather [hbm4b:s7+s3], $0x80, v3, vm0, $0xb8;
	[tilespmem:$0x1C200] =	vst v63  }
0xb2: {  	v3 =	vld [tilespmem:$0x60];
	_ =	sdelay $0x4  }
0xb3: {  	v38 =	vshll.u32 v3, $0x3  }
0xb4: {  	v3 =	vand.u32 $0x7, v3;
	v4 =	vand.u32 $0xFFFFFFC0, v38  }
0xb5: {  	v3 =	vor.u32 v3, v4  }
0xb6: {  	v4 =	vperm.xlane v3, v0;
	_ =	sdelay $0x1  }
0xb7: {  	v4 =	vadd.s32 v1, v4;
	_ =	sdelay $0x3  }
0xb8: {  	s14 =	simm.s32 $0x18200  }
0xb9: {  	[tilespmem:s14], [sflag:$0x7] =	stream.indirect_vreg.gather [hbm4b:s1+s3], $0x80, v4, vm0, $0xb8;
	[tilespmem:$0x1C200] =	vst v63  }
0xba: {  	v3 =	vperm.xlane v3, v2;
	s14 =	simm.s32 $0x18A00  }
0xbb: {  	[tilespmem:s14], [sflag:$0x7] =	stream.indirect_vreg.gather [hbm4b:s5+s3], $0x80, v4, vm0, $0xb8;
	[tilespmem:$0x1C200] =	vst v63  }
0xbc: {  	v3 =	vadd.s32 v1, v3;
	s14 =	simm.s32 $0x19200  }
0xbd: {  	[tilespmem:s14], [sflag:$0x7] =	stream.indirect_vreg.gather [hbm4b:s6+s3], $0x80, v4, vm0, $0xb8;
	[tilespmem:$0x1C200] =	vst v63  }
0xbe: {  	s14 =	simm.s32 $0x19A00  }
0xbf: {  	[tilespmem:s14], [sflag:$0x7] =	stream.indirect_vreg.gather [hbm4b:s7+s3], $0x80, v4, vm0, $0xb8;
	[tilespmem:$0x1C200] =	vst v63  }
0xc0: {  	s14 =	simm.s32 $0x1A200  }
0xc1: {  	[tilespmem:s14], [sflag:$0x7] =	stream.indirect_vreg.gather [hbm4b:s1+s3], $0x80, v3, vm0, $0xb8;
	[tilespmem:$0x1C200] =	vst v63  }
0xc2: {  	s14 =	simm.s32 $0x1AA00  }
0xc3: {  	[tilespmem:s14], [sflag:$0x7] =	stream.indirect_vreg.gather [hbm4b:s5+s3], $0x80, v3, vm0, $0xb8;
	[tilespmem:$0x1C200] =	vst v63  }
0xc4: {  	s14 =	simm.s32 $0x1B200  }
0xc5: {  	[tilespmem:s14], [sflag:$0x7] =	stream.indirect_vreg.gather [hbm4b:s6+s3], $0x80, v3, vm0, $0xb8;
	[tilespmem:$0x1C200] =	vst v63  }
0xc6: {  	s14 =	simm.s32 $0x1BA00  }
0xc7: {  	[tilespmem:s14], [sflag:$0x7] =	stream.indirect_vreg.gather [hbm4b:s7+s3], $0x80, v3, vm0, $0xb8;
	[tilespmem:$0x1C200] =	vst v63  }
0xc8: {  	_ =	swait.ge [sflag:s22], $0x4000  }
0xc9: {  	s14 =	sld [smem:$0x7FC]  }
0xca: {  	[sflag:s22] =	ssyncset.done $0x0  }
0xcb: {  	s0 =	simm.s32 $0x200;
	[sflag:s22] =	ssyncadd.s32 $0xFFFFC000  }
0xcc: {  	[hbm4b:s14+s3] =	stream.linear.scatter [tilespmem:s0], [sflag:$0x8], $0x4000, $0x38;
	[tilespmem:$0x1C200] =	vst v63  }
0xcd: {  	_ =	swait.ge [sflag:s23], $0x4000  }
0xce: {  	[sflag:s23] =	ssyncset.done $0x0  }
0xcf: {  	[sflag:s23] =	ssyncadd.s32 $0xFFFFC000  }
0xd0: {  	v3 =	vld [tilespmem:$0x70];
	_ =	sdelay $0x4  }
0xd1: {  	v39 =	vshll.u32 v3, $0x3  }
0xd2: {  	v3 =	vand.u32 $0x7, v3;
	v4 =	vand.u32 $0xFFFFFFC0, v39  }
0xd3: {  	v3 =	vor.u32 v3, v4  }
0xd4: {  	v4 =	vperm.xlane v3, v0;
	_ =	sdelay $0x1  }
0xd5: {  	v4 =	vadd.s32 v1, v4;
	_ =	sdelay $0x4  }
0xd6: {  	[tilespmem:s0], [sflag:$0x1] =	stream.indirect_vreg.gather [hbm4b:s1+s3], $0x80, v4, vm0, $0xb8;
	[tilespmem:$0x1C200] =	vst v63  }
0xd7: {  	s9 =	simm.s32 $0xA00;
	v3 =	vperm.xlane v3, v2  }
0xd8: {  	[tilespmem:s9], [sflag:$0x1] =	stream.indirect_vreg.gather [hbm4b:s5+s3], $0x80, v4, vm0, $0xb8;
	[tilespmem:$0x1C200] =	vst v63  }
0xd9: {  	s18 =	simm.s32 $0x1200;
	v3 =	vadd.s32 v1, v3  }
0xda: {  	[tilespmem:s18], [sflag:$0x1] =	stream.indirect_vreg.gather [hbm4b:s6+s3], $0x80, v4, vm0, $0xb8;
	[tilespmem:$0x1C200] =	vst v63  }
0xdb: {  	s19 =	simm.s32 $0x1A00  }
0xdc: {  	[tilespmem:s19], [sflag:$0x1] =	stream.indirect_vreg.gather [hbm4b:s7+s3], $0x80, v4, vm0, $0xb8;
	[tilespmem:$0x1C200] =	vst v63  }
0xdd: {  	s15 =	simm.s32 $0x2200  }
0xde: {  	[tilespmem:s15], [sflag:$0x1] =	stream.indirect_vreg.gather [hbm4b:s1+s3], $0x80, v3, vm0, $0xb8;
	[tilespmem:$0x1C200] =	vst v63  }
0xdf: {  	s16 =	simm.s32 $0x2A00  }
0xe0: {  	[tilespmem:s16], [sflag:$0x1] =	stream.indirect_vreg.gather [hbm4b:s5+s3], $0x80, v3, vm0, $0xb8;
	[tilespmem:$0x1C200] =	vst v63  }
0xe1: {  	s17 =	simm.s32 $0x3200  }
0xe2: {  	[tilespmem:s17], [sflag:$0x1] =	stream.indirect_vreg.gather [hbm4b:s6+s3], $0x80, v3, vm0, $0xb8;
	[tilespmem:$0x1C200] =	vst v63  }
0xe3: {  	s11 =	simm.s32 $0x3A00  }
0xe4: {  	[tilespmem:s11], [sflag:$0x1] =	stream.indirect_vreg.gather [hbm4b:s7+s3], $0x80, v3, vm0, $0xb8;
	[tilespmem:$0x1C200] =	vst v63  }
0xe5: {  	_ =	swait.ge [sflag:s24], $0x4000  }
0xe6: {  	[sflag:s24] =	ssyncset.done $0x0  }
0xe7: {  	s11 =	simm.s32 $0x4200;
	s9 =	rddreg [dreg:$0x5];
	[sflag:s24] =	ssyncadd.s32 $0xFFFFC000  }
0xe8: {  	[hbm4b:s9+s3] =	stream.linear.scatter [tilespmem:s11], [sflag:$0x9], $0x4000, $0x38;
	[tilespmem:$0x1C200] =	vst v63  }
0xe9: {  	_ =	swait.ge [sflag:s25], $0x4000  }
0xea: {  	[sflag:s25] =	ssyncset.done $0x0  }
0xeb: {  	[sflag:s25] =	ssyncadd.s32 $0xFFFFC000  }
0xec: {  	v3 =	vld [tilespmem:$0x80];
	_ =	sdelay $0x4  }
0xed: {  	v40 =	vshll.u32 v3, $0x3  }
0xee: {  	v3 =	vand.u32 $0x7, v3;
	v4 =	vand.u32 $0xFFFFFFC0, v40  }
0xef: {  	v3 =	vor.u32 v3, v4  }
0xf0: {  	v4 =	vperm.xlane v3, v0;
	_ =	sdelay $0x1  }
0xf1: {  	v4 =	vadd.s32 v1, v4;
	_ =	sdelay $0x4  }
0xf2: {  	[tilespmem:s11], [sflag:$0x2] =	stream.indirect_vreg.gather [hbm4b:s1+s3], $0x80, v4, vm0, $0xb8;
	[tilespmem:$0x1C200] =	vst v63  }
0xf3: {  	s21 =	simm.s32 $0x4A00;
	v3 =	vperm.xlane v3, v2  }
0xf4: {  	[tilespmem:s21], [sflag:$0x2] =	stream.indirect_vreg.gather [hbm4b:s5+s3], $0x80, v4, vm0, $0xb8;
	[tilespmem:$0x1C200] =	vst v63  }
0xf5: {  	s16 =	simm.s32 $0x5200;
	v3 =	vadd.s32 v1, v3  }
0xf6: {  	[tilespmem:s16], [sflag:$0x2] =	stream.indirect_vreg.gather [hbm4b:s6+s3], $0x80, v4, vm0, $0xb8;
	[tilespmem:$0x1C200] =	vst v63  }
0xf7: {  	s17 =	simm.s32 $0x5A00  }
0xf8: {  	[tilespmem:s17], [sflag:$0x2] =	stream.indirect_vreg.gather [hbm4b:s7+s3], $0x80, v4, vm0, $0xb8;
	[tilespmem:$0x1C200] =	vst v63  }
0xf9: {  	s18 =	simm.s32 $0x6200  }
0xfa: {  	[tilespmem:s18], [sflag:$0x2] =	stream.indirect_vreg.gather [hbm4b:s1+s3], $0x80, v3, vm0, $0xb8;
	[tilespmem:$0x1C200] =	vst v63  }
0xfb: {  	s19 =	simm.s32 $0x6A00  }
0xfc: {  	[tilespmem:s19], [sflag:$0x2] =	stream.indirect_vreg.gather [hbm4b:s5+s3], $0x80, v3, vm0, $0xb8;
	[tilespmem:$0x1C200] =	vst v63  }
0xfd: {  	s21 =	simm.s32 $0x7200  }
0xfe: {  	[tilespmem:s21], [sflag:$0x2] =	stream.indirect_vreg.gather [hbm4b:s6+s3], $0x80, v3, vm0, $0xb8;
	[tilespmem:$0x1C200] =	vst v63  }
0xff: {  	s20 =	simm.s32 $0x7A00  }
0x100: {  	[tilespmem:s20], [sflag:$0x2] =	stream.indirect_vreg.gather [hbm4b:s7+s3], $0x80, v3, vm0, $0xb8;
	[tilespmem:$0x1C200] =	vst v63  }
0x101: {  	_ =	swait.ge [sflag:s28], $0x4000  }
0x102: {  	[sflag:s28] =	ssyncset.done $0x0  }
0x103: {  	s11 =	simm.s32 $0x8200;
	s9 =	rddreg [dreg:$0x6];
	[sflag:s28] =	ssyncadd.s32 $0xFFFFC000  }
0x104: {  	[hbm4b:s9+s3] =	stream.linear.scatter [tilespmem:s11], [sflag:$0xA], $0x4000, $0x38;
	[tilespmem:$0x1C200] =	vst v63  }
0x105: {  	_ =	swait.ge [sflag:s29], $0x4000  }
0x106: {  	[sflag:s29] =	ssyncset.done $0x0  }
0x107: {  	[sflag:s29] =	ssyncadd.s32 $0xFFFFC000  }
0x108: {  	v3 =	vld [tilespmem:$0x90];
	_ =	sdelay $0x4  }
0x109: {  	v41 =	vshll.u32 v3, $0x3  }
0x10a: {  	v3 =	vand.u32 $0x7, v3;
	v4 =	vand.u32 $0xFFFFFFC0, v41  }
0x10b: {  	v3 =	vor.u32 v3, v4  }
0x10c: {  	v4 =	vperm.xlane v3, v0;
	_ =	sdelay $0x1  }
0x10d: {  	v4 =	vadd.s32 v1, v4;
	_ =	sdelay $0x4  }
0x10e: {  	[tilespmem:s11], [sflag:$0x3] =	stream.indirect_vreg.gather [hbm4b:s1+s3], $0x80, v4, vm0, $0xb8;
	[tilespmem:$0x1C200] =	vst v63  }
0x10f: {  	s16 =	simm.s32 $0x8A00;
	v3 =	vperm.xlane v3, v2  }
0x110: {  	[tilespmem:s16], [sflag:$0x3] =	stream.indirect_vreg.gather [hbm4b:s5+s3], $0x80, v4, vm0, $0xb8;
	[tilespmem:$0x1C200] =	vst v63  }
0x111: {  	s17 =	simm.s32 $0x9200;
	v3 =	vadd.s32 v1, v3  }
0x112: {  	[tilespmem:s17], [sflag:$0x3] =	stream.indirect_vreg.gather [hbm4b:s6+s3], $0x80, v4, vm0, $0xb8;
	[tilespmem:$0x1C200] =	vst v63  }
0x113: {  	s18 =	simm.s32 $0x9A00  }
0x114: {  	[tilespmem:s18], [sflag:$0x3] =	stream.indirect_vreg.gather [hbm4b:s7+s3], $0x80, v4, vm0, $0xb8;
	[tilespmem:$0x1C200] =	vst v63  }
0x115: {  	s19 =	simm.s32 $0xA200  }
0x116: {  	[tilespmem:s19], [sflag:$0x3] =	stream.indirect_vreg.gather [hbm4b:s1+s3], $0x80, v3, vm0, $0xb8;
	[tilespmem:$0x1C200] =	vst v63  }
0x117: {  	s20 =	simm.s32 $0xAA00  }
0x118: {  	[tilespmem:s20], [sflag:$0x3] =	stream.indirect_vreg.gather [hbm4b:s5+s3], $0x80, v3, vm0, $0xb8;
	[tilespmem:$0x1C200] =	vst v63  }
0x119: {  	s20 =	simm.s32 $0xB200  }
0x11a: {  	[tilespmem:s20], [sflag:$0x3] =	stream.indirect_vreg.gather [hbm4b:s6+s3], $0x80, v3, vm0, $0xb8;
	[tilespmem:$0x1C200] =	vst v63  }
0x11b: {  	s21 =	simm.s32 $0xBA00  }
0x11c: {  	[tilespmem:s21], [sflag:$0x3] =	stream.indirect_vreg.gather [hbm4b:s7+s3], $0x80, v3, vm0, $0xb8;
	[tilespmem:$0x1C200] =	vst v63  }
0x11d: {  	_ =	swait.ge [sflag:s30], $0x4000  }
0x11e: {  	[sflag:s30] =	ssyncset.done $0x0  }
0x11f: {  	s11 =	simm.s32 $0xC200;
	s9 =	rddreg [dreg:$0x7];
	[sflag:s30] =	ssyncadd.s32 $0xFFFFC000  }
0x120: {  	[hbm4b:s9+s3] =	stream.linear.scatter [tilespmem:s11], [sflag:$0xB], $0x4000, $0x38;
	[tilespmem:$0x1C200] =	vst v63  }
0x121: {  	_ =	swait.ge [sflag:s31], $0x4000  }
0x122: {  	[sflag:s31] =	ssyncset.done $0x0  }
0x123: {  	[sflag:s31] =	ssyncadd.s32 $0xFFFFC000  }
0x124: {  	v3 =	vld [tilespmem:$0xA0];
	_ =	sdelay $0x4  }
0x125: {  	v42 =	vshll.u32 v3, $0x3  }
0x126: {  	v3 =	vand.u32 $0x7, v3;
	v4 =	vand.u32 $0xFFFFFFC0, v42  }
0x127: {  	v3 =	vor.u32 v3, v4  }
0x128: {  	v4 =	vperm.xlane v3, v0;
	_ =	sdelay $0x1  }
0x129: {  	v4 =	vadd.s32 v1, v4;
	_ =	sdelay $0x4  }
0x12a: {  	[tilespmem:s11], [sflag:$0x4] =	stream.indirect_vreg.gather [hbm4b:s1+s3], $0x80, v4, vm0, $0xb8;
	[tilespmem:$0x1C200] =	vst v63  }
0x12b: {  	s14 =	simm.s32 $0xCA00;
	v3 =	vperm.xlane v3, v2  }
0x12c: {  	[tilespmem:s14], [sflag:$0x4] =	stream.indirect_vreg.gather [hbm4b:s5+s3], $0x80, v4, vm0, $0xb8;
	[tilespmem:$0x1C200] =	vst v63  }
0x12d: {  	s16 =	simm.s32 $0xD200;
	v3 =	vadd.s32 v1, v3  }
0x12e: {  	[tilespmem:s16], [sflag:$0x4] =	stream.indirect_vreg.gather [hbm4b:s6+s3], $0x80, v4, vm0, $0xb8;
	[tilespmem:$0x1C200] =	vst v63  }
0x12f: {  	s17 =	simm.s32 $0xDA00  }
0x130: {  	[tilespmem:s17], [sflag:$0x4] =	stream.indirect_vreg.gather [hbm4b:s7+s3], $0x80, v4, vm0, $0xb8;
	[tilespmem:$0x1C200] =	vst v63  }
0x131: {  	s18 =	simm.s32 $0xE200  }
0x132: {  	[tilespmem:s18], [sflag:$0x4] =	stream.indirect_vreg.gather [hbm4b:s1+s3], $0x80, v3, vm0, $0xb8;
	[tilespmem:$0x1C200] =	vst v63  }
0x133: {  	s21 =	simm.s32 $0xEA00  }
0x134: {  	[tilespmem:s21], [sflag:$0x4] =	stream.indirect_vreg.gather [hbm4b:s5+s3], $0x80, v3, vm0, $0xb8;
	[tilespmem:$0x1C200] =	vst v63  }
0x135: {  	s19 =	simm.s32 $0xF200  }
0x136: {  	[tilespmem:s19], [sflag:$0x4] =	stream.indirect_vreg.gather [hbm4b:s6+s3], $0x80, v3, vm0, $0xb8;
	[tilespmem:$0x1C200] =	vst v63  }
0x137: {  	s0 =	simm.s32 $0x5;
	s9 =	simm.s32 $0xFA00  }
0x138: {  	[tilespmem:s9], [sflag:$0x4] =	stream.indirect_vreg.gather [hbm4b:s7+s3], $0x80, v3, vm0, $0xb8;
	[tilespmem:$0x1C200] =	vst v63  }
0x139: {  	_ =	swait.ge [sflag:s0], $0x4000  }
0x13a: {  	s16 =	simm.s32 $0x10200;
	[sflag:s0] =	ssyncset.done $0x0  }
0x13b: {  	s9 =	simm.s32 $0xC;
	s11 =	rddreg [dreg:$0x8];
	[sflag:s0] =	ssyncadd.s32 $0xFFFFC000  }
0x13c: {  	[hbm4b:s11+s3] =	stream.linear.scatter [tilespmem:s16], [sflag:$0xC], $0x4000, $0x38;
	[tilespmem:$0x1C200] =	vst v63  }
0x13d: {  	_ =	swait.ge [sflag:s9], $0x4000  }
0x13e: {  	[sflag:s9] =	ssyncset.done $0x0  }
0x13f: {  	[sflag:s9] =	ssyncadd.s32 $0xFFFFC000  }
0x140: {  	v3 =	vld [tilespmem:$0xB0];
	_ =	sdelay $0x4  }
0x141: {  	v43 =	vshll.u32 v3, $0x3  }
0x142: {  	v3 =	vand.u32 $0x7, v3;
	v4 =	vand.u32 $0xFFFFFFC0, v43  }
0x143: {  	v3 =	vor.u32 v3, v4  }
0x144: {  	v4 =	vperm.xlane v3, v0;
	_ =	sdelay $0x1  }
0x145: {  	v4 =	vadd.s32 v1, v4;
	_ =	sdelay $0x4  }
0x146: {  	[tilespmem:s16], [sflag:$0x5] =	stream.indirect_vreg.gather [hbm4b:s1+s3], $0x80, v4, vm0, $0xb8;
	[tilespmem:$0x1C200] =	vst v63  }
0x147: {  	s2 =	simm.s32 $0x10A00;
	v3 =	vperm.xlane v3, v2  }
0x148: {  	[tilespmem:s2], [sflag:$0x5] =	stream.indirect_vreg.gather [hbm4b:s5+s3], $0x80, v4, vm0, $0xb8;
	[tilespmem:$0x1C200] =	vst v63  }
0x149: {  	s12 =	simm.s32 $0x11200;
	v3 =	vadd.s32 v1, v3  }
0x14a: {  	[tilespmem:s12], [sflag:$0x5] =	stream.indirect_vreg.gather [hbm4b:s6+s3], $0x80, v4, vm0, $0xb8;
	[tilespmem:$0x1C200] =	vst v63  }
0x14b: {  	s26 =	simm.s32 $0x11A00  }
0x14c: {  	[tilespmem:s26], [sflag:$0x5] =	stream.indirect_vreg.gather [hbm4b:s7+s3], $0x80, v4, vm0, $0xb8;
	[tilespmem:$0x1C200] =	vst v63  }
0x14d: {  	s17 =	simm.s32 $0x12200  }
0x14e: {  	[tilespmem:s17], [sflag:$0x5] =	stream.indirect_vreg.gather [hbm4b:s1+s3], $0x80, v3, vm0, $0xb8;
	[tilespmem:$0x1C200] =	vst v63  }
0x14f: {  	s10 =	simm.s32 $0x12A00  }
0x150: {  	[tilespmem:s10], [sflag:$0x5] =	stream.indirect_vreg.gather [hbm4b:s5+s3], $0x80, v3, vm0, $0xb8;
	[tilespmem:$0x1C200] =	vst v63  }
0x151: {  	s13 =	simm.s32 $0x13200  }
0x152: {  	[tilespmem:s13], [sflag:$0x5] =	stream.indirect_vreg.gather [hbm4b:s6+s3], $0x80, v3, vm0, $0xb8;
	[tilespmem:$0x1C200] =	vst v63  }
0x153: {  	s8 =	simm.s32 $0x13A00;
	s11 =	simm.s32 $0x6  }
0x154: {  	[tilespmem:s8], [sflag:$0x5] =	stream.indirect_vreg.gather [hbm4b:s7+s3], $0x80, v3, vm0, $0xb8;
	[tilespmem:$0x1C200] =	vst v63  }
0x155: {  	_ =	swait.ge [sflag:s11], $0x4000  }
0x156: {  	s12 =	simm.s32 $0xD;
	[sflag:s11] =	ssyncset.done $0x0  }
0x157: {  	s26 =	simm.s32 $0x14200;
	s18 =	rddreg [dreg:$0x9];
	[sflag:s11] =	ssyncadd.s32 $0xFFFFC000  }
0x158: {  	[hbm4b:s18+s3] =	stream.linear.scatter [tilespmem:s26], [sflag:$0xD], $0x4000, $0x38;
	[tilespmem:$0x1C200] =	vst v63  }
0x159: {  	_ =	swait.ge [sflag:s12], $0x4000  }
0x15a: {  	[sflag:s12] =	ssyncset.done $0x0  }
0x15b: {  	[sflag:s12] =	ssyncadd.s32 $0xFFFFC000  }
0x15c: {  	v3 =	vld [tilespmem:$0xC0];
	_ =	sdelay $0x4  }
0x15d: {  	v44 =	vshll.u32 v3, $0x3  }
0x15e: {  	v3 =	vand.u32 $0x7, v3;
	v4 =	vand.u32 $0xFFFFFFC0, v44  }
0x15f: {  	v3 =	vor.u32 v3, v4  }
0x160: {  	v4 =	vperm.xlane v3, v0;
	_ =	sdelay $0x1  }
0x161: {  	v4 =	vadd.s32 v1, v4;
	_ =	sdelay $0x4  }
0x162: {  	[tilespmem:s26], [sflag:$0x6] =	stream.indirect_vreg.gather [hbm4b:s1+s3], $0x80, v4, vm0, $0xb8;
	[tilespmem:$0x1C200] =	vst v63  }
0x163: {  	s8 =	simm.s32 $0x14A00;
	v3 =	vperm.xlane v3, v2  }
0x164: {  	[tilespmem:s8], [sflag:$0x6] =	stream.indirect_vreg.gather [hbm4b:s5+s3], $0x80, v4, vm0, $0xb8;
	[tilespmem:$0x1C200] =	vst v63  }
0x165: {  	s10 =	simm.s32 $0x15200;
	v3 =	vadd.s32 v1, v3  }
0x166: {  	[tilespmem:s10], [sflag:$0x6] =	stream.indirect_vreg.gather [hbm4b:s6+s3], $0x80, v4, vm0, $0xb8;
	[tilespmem:$0x1C200] =	vst v63  }
0x167: {  	s13 =	simm.s32 $0x15A00  }
0x168: {  	[tilespmem:s13], [sflag:$0x6] =	stream.indirect_vreg.gather [hbm4b:s7+s3], $0x80, v4, vm0, $0xb8;
	[tilespmem:$0x1C200] =	vst v63  }
0x169: {  	s14 =	simm.s32 $0x16200  }
0x16a: {  	[tilespmem:s14], [sflag:$0x6] =	stream.indirect_vreg.gather [hbm4b:s1+s3], $0x80, v3, vm0, $0xb8;
	[tilespmem:$0x1C200] =	vst v63  }
0x16b: {  	s16 =	simm.s32 $0x16A00  }
0x16c: {  	[tilespmem:s16], [sflag:$0x6] =	stream.indirect_vreg.gather [hbm4b:s5+s3], $0x80, v3, vm0, $0xb8;
	[tilespmem:$0x1C200] =	vst v63  }
0x16d: {  	s17 =	simm.s32 $0x17200  }
0x16e: {  	[tilespmem:s17], [sflag:$0x6] =	stream.indirect_vreg.gather [hbm4b:s6+s3], $0x80, v3, vm0, $0xb8;
	[tilespmem:$0x1C200] =	vst v63  }
0x16f: {  	s26 =	simm.s32 $0x17A00;
	s13 =	simm.s32 $0x7  }
0x170: {  	[tilespmem:s26], [sflag:$0x6] =	stream.indirect_vreg.gather [hbm4b:s7+s3], $0x80, v3, vm0, $0xb8;
	[tilespmem:$0x1C200] =	vst v63  }
0x171: {  	_ =	swait.ge [sflag:s13], $0x4000  }
0x172: {  	[sflag:s13] =	ssyncset.done $0x0  }
0x173: {  	s10 =	simm.s32 $0x18200;
	s8 =	rddreg [dreg:$0xa];
	[sflag:s13] =	ssyncadd.s32 $0xFFFFC000  }
0x174: {  	[hbm4b:s8+s3] =	stream.linear.scatter [tilespmem:s10], [sflag:$0xE], $0x4000, $0x38;
	[tilespmem:$0x1C200] =	vst v63  }
0x175: {  	s8 =	simm.s32 $0xE  }
0x176: {  	_ =	swait.ge [sflag:s8], $0x4000  }
0x177: {  	[sflag:s8] =	ssyncset.done $0x0  }
0x178: {  	[sflag:s8] =	ssyncadd.s32 $0xFFFFC000  }
0x179: {  	v3 =	vld [tilespmem:$0xD0];
	_ =	sdelay $0x4  }
0x17a: {  	v45 =	vshll.u32 v3, $0x3  }
0x17b: {  	v3 =	vand.u32 $0x7, v3;
	v4 =	vand.u32 $0xFFFFFFC0, v45  }
0x17c: {  	v3 =	vor.u32 v3, v4  }
0x17d: {  	v4 =	vperm.xlane v3, v0;
	_ =	sdelay $0x1  }
0x17e: {  	v4 =	vadd.s32 v1, v4;
	_ =	sdelay $0x4  }
0x17f: {  	[tilespmem:s10], [sflag:$0x7] =	stream.indirect_vreg.gather [hbm4b:s1+s3], $0x80, v4, vm0, $0xb8;
	[tilespmem:$0x1C200] =	vst v63  }
0x180: {  	s14 =	simm.s32 $0x18A00;
	v3 =	vperm.xlane v3, v2  }
0x181: {  	[tilespmem:s14], [sflag:$0x7] =	stream.indirect_vreg.gather [hbm4b:s5+s3], $0x80, v4, vm0, $0xb8;
	[tilespmem:$0x1C200] =	vst v63  }
0x182: {  	s16 =	simm.s32 $0x19200;
	v3 =	vadd.s32 v1, v3  }
0x183: {  	[tilespmem:s16], [sflag:$0x7] =	stream.indirect_vreg.gather [hbm4b:s6+s3], $0x80, v4, vm0, $0xb8;
	[tilespmem:$0x1C200] =	vst v63  }
0x184: {  	s26 =	simm.s32 $0x19A00  }
0x185: {  	[tilespmem:s26], [sflag:$0x7] =	stream.indirect_vreg.gather [hbm4b:s7+s3], $0x80, v4, vm0, $0xb8;
	[tilespmem:$0x1C200] =	vst v63  }
0x186: {  	s10 =	simm.s32 $0x1A200  }
0x187: {  	[tilespmem:s10], [sflag:$0x7] =	stream.indirect_vreg.gather [hbm4b:s1+s3], $0x80, v3, vm0, $0xb8;
	[tilespmem:$0x1C200] =	vst v63  }
0x188: {  	s14 =	simm.s32 $0x1AA00  }
0x189: {  	[tilespmem:s14], [sflag:$0x7] =	stream.indirect_vreg.gather [hbm4b:s5+s3], $0x80, v3, vm0, $0xb8;
	[tilespmem:$0x1C200] =	vst v63  }
0x18a: {  	s16 =	simm.s32 $0x1B200  }
0x18b: {  	[tilespmem:s16], [sflag:$0x7] =	stream.indirect_vreg.gather [hbm4b:s6+s3], $0x80, v3, vm0, $0xb8;
	[tilespmem:$0x1C200] =	vst v63  }
0x18c: {  	s26 =	simm.s32 $0x1BA00  }
0x18d: {  	[tilespmem:s26], [sflag:$0x7] =	stream.indirect_vreg.gather [hbm4b:s7+s3], $0x80, v3, vm0, $0xb8;
	[tilespmem:$0x1C200] =	vst v63  }
0x18e: {  	_ =	swait.ge [sflag:s22], $0x4000  }
0x18f: {  	[sflag:s22] =	ssyncset.done $0x0  }
0x190: {  	s10 =	simm.s32 $0x200;
	s2 =	rddreg [dreg:$0xb];
	[sflag:s22] =	ssyncadd.s32 $0xFFFFC000  }
0x191: {  	[hbm4b:s2+s3] =	stream.linear.scatter [tilespmem:s10], [sflag:$0x8], $0x4000, $0x38;
	[tilespmem:$0x1C200] =	vst v63  }
0x192: {  	_ =	swait.ge [sflag:s23], $0x4000  }
0x193: {  	[sflag:s23] =	ssyncset.done $0x0  }
0x194: {  	[sflag:s23] =	ssyncadd.s32 $0xFFFFC000  }
0x195: {  	v3 =	vld [tilespmem:$0xE0];
	_ =	sdelay $0x4  }
0x196: {  	v46 =	vshll.u32 v3, $0x3  }
0x197: {  	v3 =	vand.u32 $0x7, v3;
	v4 =	vand.u32 $0xFFFFFFC0, v46  }
0x198: {  	v3 =	vor.u32 v3, v4  }
0x199: {  	v4 =	vperm.xlane v3, v0;
	_ =	sdelay $0x1  }
0x19a: {  	v4 =	vadd.s32 v1, v4;
	_ =	sdelay $0x4  }
0x19b: {  	[tilespmem:s10], [sflag:$0x1] =	stream.indirect_vreg.gather [hbm4b:s1+s3], $0x80, v4, vm0, $0xb8;
	[tilespmem:$0x1C200] =	vst v63  }
0x19c: {  	s14 =	simm.s32 $0xA00;
	v3 =	vperm.xlane v3, v2  }
0x19d: {  	[tilespmem:s14], [sflag:$0x1] =	stream.indirect_vreg.gather [hbm4b:s5+s3], $0x80, v4, vm0, $0xb8;
	[tilespmem:$0x1C200] =	vst v63  }
0x19e: {  	s26 =	simm.s32 $0x1200;
	v3 =	vadd.s32 v1, v3  }
0x19f: {  	[tilespmem:s26], [sflag:$0x1] =	stream.indirect_vreg.gather [hbm4b:s6+s3], $0x80, v4, vm0, $0xb8;
	[tilespmem:$0x1C200] =	vst v63  }
0x1a0: {  	s10 =	simm.s32 $0x1A00  }
0x1a1: {  	[tilespmem:s10], [sflag:$0x1] =	stream.indirect_vreg.gather [hbm4b:s7+s3], $0x80, v4, vm0, $0xb8;
	[tilespmem:$0x1C200] =	vst v63  }
0x1a2: {  	s15 =	simm.s32 $0x2200  }
0x1a3: {  	[tilespmem:s15], [sflag:$0x1] =	stream.indirect_vreg.gather [hbm4b:s1+s3], $0x80, v3, vm0, $0xb8;
	[tilespmem:$0x1C200] =	vst v63  }
0x1a4: {  	s14 =	simm.s32 $0x2A00  }
0x1a5: {  	[tilespmem:s14], [sflag:$0x1] =	stream.indirect_vreg.gather [hbm4b:s5+s3], $0x80, v3, vm0, $0xb8;
	[tilespmem:$0x1C200] =	vst v63  }
0x1a6: {  	s15 =	simm.s32 $0x3200  }
0x1a7: {  	[tilespmem:s15], [sflag:$0x1] =	stream.indirect_vreg.gather [hbm4b:s6+s3], $0x80, v3, vm0, $0xb8;
	[tilespmem:$0x1C200] =	vst v63  }
0x1a8: {  	s26 =	simm.s32 $0x3A00  }
0x1a9: {  	[tilespmem:s26], [sflag:$0x1] =	stream.indirect_vreg.gather [hbm4b:s7+s3], $0x80, v3, vm0, $0xb8;
	[tilespmem:$0x1C200] =	vst v63  }
0x1aa: {  	_ =	swait.ge [sflag:s24], $0x4000  }
0x1ab: {  	[sflag:s24] =	ssyncset.done $0x0  }
0x1ac: {  	s15 =	simm.s32 $0x4200;
	s10 =	rddreg [dreg:$0xc];
	[sflag:s24] =	ssyncadd.s32 $0xFFFFC000  }
0x1ad: {  	[hbm4b:s10+s3] =	stream.linear.scatter [tilespmem:s15], [sflag:$0x9], $0x4000, $0x38;
	[tilespmem:$0x1C200] =	vst v63  }
0x1ae: {  	_ =	swait.ge [sflag:s25], $0x4000  }
0x1af: {  	[sflag:s25] =	ssyncset.done $0x0  }
0x1b0: {  	[sflag:s25] =	ssyncadd.s32 $0xFFFFC000  }
0x1b1: {  	v3 =	vld [tilespmem:$0xF0];
	_ =	sdelay $0x4  }
0x1b2: {  	v47 =	vshll.u32 v3, $0x3  }
0x1b3: {  	v3 =	vand.u32 $0x7, v3;
	v4 =	vand.u32 $0xFFFFFFC0, v47  }
0x1b4: {  	v3 =	vor.u32 v3, v4  }
0x1b5: {  	v4 =	vperm.xlane v3, v0;
	_ =	sdelay $0x1  }
0x1b6: {  	v4 =	vadd.s32 v1, v4;
	_ =	sdelay $0x4  }
0x1b7: {  	[tilespmem:s15], [sflag:$0x2] =	stream.indirect_vreg.gather [hbm4b:s1+s3], $0x80, v4, vm0, $0xb8;
	[tilespmem:$0x1C200] =	vst v63  }
0x1b8: {  	s26 =	simm.s32 $0x4A00;
	v3 =	vperm.xlane v3, v2  }
0x1b9: {  	[tilespmem:s26], [sflag:$0x2] =	stream.indirect_vreg.gather [hbm4b:s5+s3], $0x80, v4, vm0, $0xb8;
	[tilespmem:$0x1C200] =	vst v63  }
0x1ba: {  	s10 =	simm.s32 $0x5200;
	v3 =	vadd.s32 v1, v3  }
0x1bb: {  	[tilespmem:s10], [sflag:$0x2] =	stream.indirect_vreg.gather [hbm4b:s6+s3], $0x80, v4, vm0, $0xb8;
	[tilespmem:$0x1C200] =	vst v63  }
0x1bc: {  	s14 =	simm.s32 $0x5A00  }
0x1bd: {  	[tilespmem:s14], [sflag:$0x2] =	stream.indirect_vreg.gather [hbm4b:s7+s3], $0x80, v4, vm0, $0xb8;
	[tilespmem:$0x1C200] =	vst v63  }
0x1be: {  	s26 =	simm.s32 $0x6200  }
0x1bf: {  	[tilespmem:s26], [sflag:$0x2] =	stream.indirect_vreg.gather [hbm4b:s1+s3], $0x80, v3, vm0, $0xb8;
	[tilespmem:$0x1C200] =	vst v63  }
0x1c0: {  	s10 =	simm.s32 $0x6A00  }
0x1c1: {  	[tilespmem:s10], [sflag:$0x2] =	stream.indirect_vreg.gather [hbm4b:s5+s3], $0x80, v3, vm0, $0xb8;
	[tilespmem:$0x1C200] =	vst v63  }
0x1c2: {  	s14 =	simm.s32 $0x7200  }
0x1c3: {  	[tilespmem:s14], [sflag:$0x2] =	stream.indirect_vreg.gather [hbm4b:s6+s3], $0x80, v3, vm0, $0xb8;
	[tilespmem:$0x1C200] =	vst v63  }
0x1c4: {  	s26 =	simm.s32 $0x7A00  }
0x1c5: {  	[tilespmem:s26], [sflag:$0x2] =	stream.indirect_vreg.gather [hbm4b:s7+s3], $0x80, v3, vm0, $0xb8;
	[tilespmem:$0x1C200] =	vst v63  }
0x1c6: {  	_ =	swait.ge [sflag:s28], $0x4000  }
0x1c7: {  	[sflag:s28] =	ssyncset.done $0x0  }
0x1c8: {  	s10 =	simm.s32 $0x8200;
	s2 =	rddreg [dreg:$0xd];
	[sflag:s28] =	ssyncadd.s32 $0xFFFFC000  }
0x1c9: {  	[hbm4b:s2+s3] =	stream.linear.scatter [tilespmem:s10], [sflag:$0xA], $0x4000, $0x38;
	[tilespmem:$0x1C200] =	vst v63  }
0x1ca: {  	_ =	swait.ge [sflag:s29], $0x4000  }
0x1cb: {  	[sflag:s29] =	ssyncset.done $0x0  }
0x1cc: {  	[sflag:s29] =	ssyncadd.s32 $0xFFFFC000  }
0x1cd: {  	v3 =	vld [tilespmem:$0x100];
	_ =	sdelay $0x4  }
0x1ce: {  	v48 =	vshll.u32 v3, $0x3  }
0x1cf: {  	v3 =	vand.u32 $0x7, v3;
	v4 =	vand.u32 $0xFFFFFFC0, v48  }
0x1d0: {  	v3 =	vor.u32 v3, v4  }
0x1d1: {  	v4 =	vperm.xlane v3, v0;
	_ =	sdelay $0x1  }
0x1d2: {  	v4 =	vadd.s32 v1, v4;
	_ =	sdelay $0x4  }
0x1d3: {  	[tilespmem:s10], [sflag:$0x3] =	stream.indirect_vreg.gather [hbm4b:s1+s3], $0x80, v4, vm0, $0xb8;
	[tilespmem:$0x1C200] =	vst v63  }
0x1d4: {  	s26 =	simm.s32 $0x8A00;
	v3 =	vperm.xlane v3, v2  }
0x1d5: {  	[tilespmem:s26], [sflag:$0x3] =	stream.indirect_vreg.gather [hbm4b:s5+s3], $0x80, v4, vm0, $0xb8;
	[tilespmem:$0x1C200] =	vst v63  }
0x1d6: {  	v3 =	vadd.s32 v1, v3;
	s26 =	simm.s32 $0x9200  }
0x1d7: {  	[tilespmem:s26], [sflag:$0x3] =	stream.indirect_vreg.gather [hbm4b:s6+s3], $0x80, v4, vm0, $0xb8;
	[tilespmem:$0x1C200] =	vst v63  }
0x1d8: {  	s14 =	simm.s32 $0x9A00  }
0x1d9: {  	[tilespmem:s14], [sflag:$0x3] =	stream.indirect_vreg.gather [hbm4b:s7+s3], $0x80, v4, vm0, $0xb8;
	[tilespmem:$0x1C200] =	vst v63  }
0x1da: {  	s14 =	simm.s32 $0xA200  }
0x1db: {  	[tilespmem:s14], [sflag:$0x3] =	stream.indirect_vreg.gather [hbm4b:s1+s3], $0x80, v3, vm0, $0xb8;
	[tilespmem:$0x1C200] =	vst v63  }
0x1dc: {  	s10 =	simm.s32 $0xAA00  }
0x1dd: {  	[tilespmem:s10], [sflag:$0x3] =	stream.indirect_vreg.gather [hbm4b:s5+s3], $0x80, v3, vm0, $0xb8;
	[tilespmem:$0x1C200] =	vst v63  }
0x1de: {  	_ = 	snop  }
0x1df: {  	[tilespmem:s20], [sflag:$0x3] =	stream.indirect_vreg.gather [hbm4b:s6+s3], $0x80, v3, vm0, $0xb8;
	[tilespmem:$0x1C200] =	vst v63  }
0x1e0: {  	s20 =	simm.s32 $0xBA00  }
0x1e1: {  	[tilespmem:s20], [sflag:$0x3] =	stream.indirect_vreg.gather [hbm4b:s7+s3], $0x80, v3, vm0, $0xb8;
	[tilespmem:$0x1C200] =	vst v63  }
0x1e2: {  	_ =	swait.ge [sflag:s30], $0x4000  }
0x1e3: {  	[sflag:s30] =	ssyncset.done $0x0  }
0x1e4: {  	s20 =	simm.s32 $0xC200;
	s10 =	rddreg [dreg:$0xe];
	[sflag:s30] =	ssyncadd.s32 $0xFFFFC000  }
0x1e5: {  	[hbm4b:s10+s3] =	stream.linear.scatter [tilespmem:s20], [sflag:$0xB], $0x4000, $0x38;
	[tilespmem:$0x1C200] =	vst v63  }
0x1e6: {  	_ =	swait.ge [sflag:s31], $0x4000  }
0x1e7: {  	[sflag:s31] =	ssyncset.done $0x0  }
0x1e8: {  	[sflag:s31] =	ssyncadd.s32 $0xFFFFC000  }
0x1e9: {  	v3 =	vld [tilespmem:$0x110];
	_ =	sdelay $0x4  }
0x1ea: {  	v49 =	vshll.u32 v3, $0x3  }
0x1eb: {  	v3 =	vand.u32 $0x7, v3;
	v4 =	vand.u32 $0xFFFFFFC0, v49  }
0x1ec: {  	v3 =	vor.u32 v3, v4  }
0x1ed: {  	v4 =	vperm.xlane v3, v0;
	_ =	sdelay $0x1  }
0x1ee: {  	v4 =	vadd.s32 v1, v4;
	_ =	sdelay $0x4  }
0x1ef: {  	[tilespmem:s20], [sflag:$0x4] =	stream.indirect_vreg.gather [hbm4b:s1+s3], $0x80, v4, vm0, $0xb8;
	[tilespmem:$0x1C200] =	vst v63  }
0x1f0: {  	v3 =	vperm.xlane v3, v2;
	s20 =	simm.s32 $0xCA00  }
0x1f1: {  	[tilespmem:s20], [sflag:$0x4] =	stream.indirect_vreg.gather [hbm4b:s5+s3], $0x80, v4, vm0, $0xb8;
	[tilespmem:$0x1C200] =	vst v63  }
0x1f2: {  	v3 =	vadd.s32 v1, v3;
	s20 =	simm.s32 $0xD200  }
0x1f3: {  	[tilespmem:s20], [sflag:$0x4] =	stream.indirect_vreg.gather [hbm4b:s6+s3], $0x80, v4, vm0, $0xb8;
	[tilespmem:$0x1C200] =	vst v63  }
0x1f4: {  	s20 =	simm.s32 $0xDA00  }
0x1f5: {  	[tilespmem:s20], [sflag:$0x4] =	stream.indirect_vreg.gather [hbm4b:s7+s3], $0x80, v4, vm0, $0xb8;
	[tilespmem:$0x1C200] =	vst v63  }
0x1f6: {  	s20 =	simm.s32 $0xE200  }
0x1f7: {  	[tilespmem:s20], [sflag:$0x4] =	stream.indirect_vreg.gather [hbm4b:s1+s3], $0x80, v3, vm0, $0xb8;
	[tilespmem:$0x1C200] =	vst v63  }
0x1f8: {  	_ = 	snop  }
0x1f9: {  	[tilespmem:s21], [sflag:$0x4] =	stream.indirect_vreg.gather [hbm4b:s5+s3], $0x80, v3, vm0, $0xb8;
	[tilespmem:$0x1C200] =	vst v63  }
0x1fa: {  	s21 =	simm.s32 $0xF200  }
0x1fb: {  	[tilespmem:s21], [sflag:$0x4] =	stream.indirect_vreg.gather [hbm4b:s6+s3], $0x80, v3, vm0, $0xb8;
	[tilespmem:$0x1C200] =	vst v63  }
0x1fc: {  	s21 =	simm.s32 $0xFA00  }
0x1fd: {  	[tilespmem:s21], [sflag:$0x4] =	stream.indirect_vreg.gather [hbm4b:s7+s3], $0x80, v3, vm0, $0xb8;
	[tilespmem:$0x1C200] =	vst v63  }
0x1fe: {  	_ =	swait.ge [sflag:s0], $0x4000  }
0x1ff: {  	[sflag:s0] =	ssyncset.done $0x0  }
0x200: {  	s19 =	simm.s32 $0x10200;
	s20 =	rddreg [dreg:$0xf];
	[sflag:s0] =	ssyncadd.s32 $0xFFFFC000  }
0x201: {  	[hbm4b:s20+s3] =	stream.linear.scatter [tilespmem:s19], [sflag:$0xC], $0x4000, $0x38;
	[tilespmem:$0x1C200] =	vst v63  }
0x202: {  	_ =	swait.ge [sflag:s9], $0x4000  }
0x203: {  	[sflag:s9] =	ssyncset.done $0x0  }
0x204: {  	[sflag:s9] =	ssyncadd.s32 $0xFFFFC000  }
0x205: {  	v3 =	vld [tilespmem:$0x120];
	_ =	sdelay $0x4  }
0x206: {  	v50 =	vshll.u32 v3, $0x3  }
0x207: {  	v3 =	vand.u32 $0x7, v3;
	v4 =	vand.u32 $0xFFFFFFC0, v50  }
0x208: {  	v3 =	vor.u32 v3, v4  }
0x209: {  	v4 =	vperm.xlane v3, v0;
	_ =	sdelay $0x1  }
0x20a: {  	v4 =	vadd.s32 v1, v4;
	_ =	sdelay $0x4  }
0x20b: {  	[tilespmem:s19], [sflag:$0x5] =	stream.indirect_vreg.gather [hbm4b:s1+s3], $0x80, v4, vm0, $0xb8;
	[tilespmem:$0x1C200] =	vst v63  }
0x20c: {  	s20 =	simm.s32 $0x10A00;
	v3 =	vperm.xlane v3, v2  }
0x20d: {  	[tilespmem:s20], [sflag:$0x5] =	stream.indirect_vreg.gather [hbm4b:s5+s3], $0x80, v4, vm0, $0xb8;
	[tilespmem:$0x1C200] =	vst v63  }
0x20e: {  	v3 =	vadd.s32 v1, v3;
	s19 =	simm.s32 $0x11200  }
0x20f: {  	[tilespmem:s19], [sflag:$0x5] =	stream.indirect_vreg.gather [hbm4b:s6+s3], $0x80, v4, vm0, $0xb8;
	[tilespmem:$0x1C200] =	vst v63  }
0x210: {  	s20 =	simm.s32 $0x11A00  }
0x211: {  	[tilespmem:s20], [sflag:$0x5] =	stream.indirect_vreg.gather [hbm4b:s7+s3], $0x80, v4, vm0, $0xb8;
	[tilespmem:$0x1C200] =	vst v63  }
0x212: {  	s19 =	simm.s32 $0x12200  }
0x213: {  	[tilespmem:s19], [sflag:$0x5] =	stream.indirect_vreg.gather [hbm4b:s1+s3], $0x80, v3, vm0, $0xb8;
	[tilespmem:$0x1C200] =	vst v63  }
0x214: {  	s20 =	simm.s32 $0x12A00  }
0x215: {  	[tilespmem:s20], [sflag:$0x5] =	stream.indirect_vreg.gather [hbm4b:s5+s3], $0x80, v3, vm0, $0xb8;
	[tilespmem:$0x1C200] =	vst v63  }
0x216: {  	s19 =	simm.s32 $0x13200  }
0x217: {  	[tilespmem:s19], [sflag:$0x5] =	stream.indirect_vreg.gather [hbm4b:s6+s3], $0x80, v3, vm0, $0xb8;
	[tilespmem:$0x1C200] =	vst v63  }
0x218: {  	s20 =	simm.s32 $0x13A00  }
0x219: {  	[tilespmem:s20], [sflag:$0x5] =	stream.indirect_vreg.gather [hbm4b:s7+s3], $0x80, v3, vm0, $0xb8;
	[tilespmem:$0x1C200] =	vst v63  }
0x21a: {  	_ =	swait.ge [sflag:s11], $0x4000  }
0x21b: {  	[sflag:s11] =	ssyncset.done $0x0  }
0x21c: {  	s18 =	simm.s32 $0x14200;
	s19 =	rddreg [dreg:$0x10];
	[sflag:s11] =	ssyncadd.s32 $0xFFFFC000  }
0x21d: {  	[hbm4b:s19+s3] =	stream.linear.scatter [tilespmem:s18], [sflag:$0xD], $0x4000, $0x38;
	[tilespmem:$0x1C200] =	vst v63  }
0x21e: {  	_ =	swait.ge [sflag:s12], $0x4000  }
0x21f: {  	[sflag:s12] =	ssyncset.done $0x0  }
0x220: {  	[sflag:s12] =	ssyncadd.s32 $0xFFFFC000  }
0x221: {  	v3 =	vld [tilespmem:$0x130];
	_ =	sdelay $0x4  }
0x222: {  	v51 =	vshll.u32 v3, $0x3  }
0x223: {  	v3 =	vand.u32 $0x7, v3;
	v4 =	vand.u32 $0xFFFFFFC0, v51  }
0x224: {  	v3 =	vor.u32 v3, v4  }
0x225: {  	v4 =	vperm.xlane v3, v0;
	_ =	sdelay $0x1  }
0x226: {  	v4 =	vadd.s32 v1, v4;
	_ =	sdelay $0x4  }
0x227: {  	[tilespmem:s18], [sflag:$0x6] =	stream.indirect_vreg.gather [hbm4b:s1+s3], $0x80, v4, vm0, $0xb8;
	[tilespmem:$0x1C200] =	vst v63  }
0x228: {  	s19 =	simm.s32 $0x14A00;
	v3 =	vperm.xlane v3, v2  }
0x229: {  	[tilespmem:s19], [sflag:$0x6] =	stream.indirect_vreg.gather [hbm4b:s5+s3], $0x80, v4, vm0, $0xb8;
	[tilespmem:$0x1C200] =	vst v63  }
0x22a: {  	v3 =	vadd.s32 v1, v3;
	s18 =	simm.s32 $0x15200  }
0x22b: {  	[tilespmem:s18], [sflag:$0x6] =	stream.indirect_vreg.gather [hbm4b:s6+s3], $0x80, v4, vm0, $0xb8;
	[tilespmem:$0x1C200] =	vst v63  }
0x22c: {  	s19 =	simm.s32 $0x15A00  }
0x22d: {  	[tilespmem:s19], [sflag:$0x6] =	stream.indirect_vreg.gather [hbm4b:s7+s3], $0x80, v4, vm0, $0xb8;
	[tilespmem:$0x1C200] =	vst v63  }
0x22e: {  	s18 =	simm.s32 $0x16200  }
0x22f: {  	[tilespmem:s18], [sflag:$0x6] =	stream.indirect_vreg.gather [hbm4b:s1+s3], $0x80, v3, vm0, $0xb8;
	[tilespmem:$0x1C200] =	vst v63  }
0x230: {  	s19 =	simm.s32 $0x16A00  }
0x231: {  	[tilespmem:s19], [sflag:$0x6] =	stream.indirect_vreg.gather [hbm4b:s5+s3], $0x80, v3, vm0, $0xb8;
	[tilespmem:$0x1C200] =	vst v63  }
0x232: {  	s18 =	simm.s32 $0x17200  }
0x233: {  	[tilespmem:s18], [sflag:$0x6] =	stream.indirect_vreg.gather [hbm4b:s6+s3], $0x80, v3, vm0, $0xb8;
	[tilespmem:$0x1C200] =	vst v63  }
0x234: {  	s19 =	simm.s32 $0x17A00  }
0x235: {  	[tilespmem:s19], [sflag:$0x6] =	stream.indirect_vreg.gather [hbm4b:s7+s3], $0x80, v3, vm0, $0xb8;
	[tilespmem:$0x1C200] =	vst v63  }
0x236: {  	_ =	swait.ge [sflag:s13], $0x4000  }
0x237: {  	[sflag:s13] =	ssyncset.done $0x0  }
0x238: {  	s17 =	simm.s32 $0x18200;
	s19 =	rddreg [dreg:$0x11];
	[sflag:s13] =	ssyncadd.s32 $0xFFFFC000  }
0x239: {  	[hbm4b:s19+s3] =	stream.linear.scatter [tilespmem:s17], [sflag:$0xE], $0x4000, $0x38;
	[tilespmem:$0x1C200] =	vst v63  }
0x23a: {  	_ =	swait.ge [sflag:s8], $0x4000  }
0x23b: {  	[sflag:s8] =	ssyncset.done $0x0  }
0x23c: {  	[sflag:s8] =	ssyncadd.s32 $0xFFFFC000  }
0x23d: {  	v3 =	vld [tilespmem:$0x140];
	_ =	sdelay $0x4  }
0x23e: {  	v52 =	vshll.u32 v3, $0x3  }
0x23f: {  	v3 =	vand.u32 $0x7, v3;
	v4 =	vand.u32 $0xFFFFFFC0, v52  }
0x240: {  	v3 =	vor.u32 v3, v4  }
0x241: {  	v4 =	vperm.xlane v3, v0;
	_ =	sdelay $0x1  }
0x242: {  	v4 =	vadd.s32 v1, v4;
	_ =	sdelay $0x4  }
0x243: {  	[tilespmem:s17], [sflag:$0x7] =	stream.indirect_vreg.gather [hbm4b:s1+s3], $0x80, v4, vm0, $0xb8;
	[tilespmem:$0x1C200] =	vst v63  }
0x244: {  	v3 =	vperm.xlane v3, v2;
	s17 =	simm.s32 $0x18A00  }
0x245: {  	[tilespmem:s17], [sflag:$0x7] =	stream.indirect_vreg.gather [hbm4b:s5+s3], $0x80, v4, vm0, $0xb8;
	[tilespmem:$0x1C200] =	vst v63  }
0x246: {  	s19 =	simm.s32 $0x19200;
	v3 =	vadd.s32 v1, v3  }
0x247: {  	[tilespmem:s19], [sflag:$0x7] =	stream.indirect_vreg.gather [hbm4b:s6+s3], $0x80, v4, vm0, $0xb8;
	[tilespmem:$0x1C200] =	vst v63  }
0x248: {  	s17 =	simm.s32 $0x19A00  }
0x249: {  	[tilespmem:s17], [sflag:$0x7] =	stream.indirect_vreg.gather [hbm4b:s7+s3], $0x80, v4, vm0, $0xb8;
	[tilespmem:$0x1C200] =	vst v63  }
0x24a: {  	s19 =	simm.s32 $0x1A200  }
0x24b: {  	[tilespmem:s19], [sflag:$0x7] =	stream.indirect_vreg.gather [hbm4b:s1+s3], $0x80, v3, vm0, $0xb8;
	[tilespmem:$0x1C200] =	vst v63  }
0x24c: {  	s17 =	simm.s32 $0x1AA00  }
0x24d: {  	[tilespmem:s17], [sflag:$0x7] =	stream.indirect_vreg.gather [hbm4b:s5+s3], $0x80, v3, vm0, $0xb8;
	[tilespmem:$0x1C200] =	vst v63  }
0x24e: {  	s19 =	simm.s32 $0x1B200  }
0x24f: {  	[tilespmem:s19], [sflag:$0x7] =	stream.indirect_vreg.gather [hbm4b:s6+s3], $0x80, v3, vm0, $0xb8;
	[tilespmem:$0x1C200] =	vst v63  }
0x250: {  	s17 =	simm.s32 $0x1BA00  }
0x251: {  	[tilespmem:s17], [sflag:$0x7] =	stream.indirect_vreg.gather [hbm4b:s7+s3], $0x80, v3, vm0, $0xb8;
	[tilespmem:$0x1C200] =	vst v63  }
0x252: {  	_ =	swait.ge [sflag:s22], $0x4000  }
0x253: {  	[sflag:s22] =	ssyncset.done $0x0  }
0x254: {  	s16 =	simm.s32 $0x200;
	s19 =	rddreg [dreg:$0x12];
	[sflag:s22] =	ssyncadd.s32 $0xFFFFC000  }
0x255: {  	[hbm4b:s19+s3] =	stream.linear.scatter [tilespmem:s16], [sflag:$0x8], $0x4000, $0x38;
	[tilespmem:$0x1C200] =	vst v63  }
0x256: {  	_ =	swait.ge [sflag:s23], $0x4000  }
0x257: {  	[sflag:s23] =	ssyncset.done $0x0  }
0x258: {  	[sflag:s23] =	ssyncadd.s32 $0xFFFFC000  }
0x259: {  	v3 =	vld [tilespmem:$0x150];
	_ =	sdelay $0x4  }
0x25a: {  	v53 =	vshll.u32 v3, $0x3  }
0x25b: {  	v3 =	vand.u32 $0x7, v3;
	v4 =	vand.u32 $0xFFFFFFC0, v53  }
0x25c: {  	v3 =	vor.u32 v3, v4  }
0x25d: {  	v4 =	vperm.xlane v3, v0;
	_ =	sdelay $0x1  }
0x25e: {  	v4 =	vadd.s32 v1, v4;
	_ =	sdelay $0x4  }
0x25f: {  	[tilespmem:s16], [sflag:$0x1] =	stream.indirect_vreg.gather [hbm4b:s1+s3], $0x80, v4, vm0, $0xb8;
	[tilespmem:$0x1C200] =	vst v63  }
0x260: {  	s17 =	simm.s32 $0xA00;
	v3 =	vperm.xlane v3, v2  }
0x261: {  	[tilespmem:s17], [sflag:$0x1] =	stream.indirect_vreg.gather [hbm4b:s5+s3], $0x80, v4, vm0, $0xb8;
	[tilespmem:$0x1C200] =	vst v63  }
0x262: {  	s19 =	simm.s32 $0x1200;
	v3 =	vadd.s32 v1, v3  }
0x263: {  	[tilespmem:s19], [sflag:$0x1] =	stream.indirect_vreg.gather [hbm4b:s6+s3], $0x80, v4, vm0, $0xb8;
	[tilespmem:$0x1C200] =	vst v63  }
0x264: {  	s16 =	simm.s32 $0x1A00  }
0x265: {  	[tilespmem:s16], [sflag:$0x1] =	stream.indirect_vreg.gather [hbm4b:s7+s3], $0x80, v4, vm0, $0xb8;
	[tilespmem:$0x1C200] =	vst v63  }
0x266: {  	s17 =	simm.s32 $0x2200  }
0x267: {  	[tilespmem:s17], [sflag:$0x1] =	stream.indirect_vreg.gather [hbm4b:s1+s3], $0x80, v3, vm0, $0xb8;
	[tilespmem:$0x1C200] =	vst v63  }
0x268: {  	s19 =	simm.s32 $0x2A00  }
0x269: {  	[tilespmem:s19], [sflag:$0x1] =	stream.indirect_vreg.gather [hbm4b:s5+s3], $0x80, v3, vm0, $0xb8;
	[tilespmem:$0x1C200] =	vst v63  }
0x26a: {  	s16 =	simm.s32 $0x3200  }
0x26b: {  	[tilespmem:s16], [sflag:$0x1] =	stream.indirect_vreg.gather [hbm4b:s6+s3], $0x80, v3, vm0, $0xb8;
	[tilespmem:$0x1C200] =	vst v63  }
0x26c: {  	s17 =	simm.s32 $0x3A00  }
0x26d: {  	[tilespmem:s17], [sflag:$0x1] =	stream.indirect_vreg.gather [hbm4b:s7+s3], $0x80, v3, vm0, $0xb8;
	[tilespmem:$0x1C200] =	vst v63  }
0x26e: {  	_ =	swait.ge [sflag:s24], $0x4000  }
0x26f: {  	[sflag:s24] =	ssyncset.done $0x0  }
0x270: {  	s15 =	simm.s32 $0x4200;
	s19 =	rddreg [dreg:$0x13];
	[sflag:s24] =	ssyncadd.s32 $0xFFFFC000  }
0x271: {  	[hbm4b:s19+s3] =	stream.linear.scatter [tilespmem:s15], [sflag:$0x9], $0x4000, $0x38;
	[tilespmem:$0x1C200] =	vst v63  }
0x272: {  	_ =	swait.ge [sflag:s25], $0x4000  }
0x273: {  	[sflag:s25] =	ssyncset.done $0x0  }
0x274: {  	[sflag:s25] =	ssyncadd.s32 $0xFFFFC000  }
0x275: {  	v3 =	vld [tilespmem:$0x160];
	_ =	sdelay $0x4  }
0x276: {  	v54 =	vshll.u32 v3, $0x3  }
0x277: {  	v3 =	vand.u32 $0x7, v3;
	v4 =	vand.u32 $0xFFFFFFC0, v54  }
0x278: {  	v3 =	vor.u32 v3, v4  }
0x279: {  	v4 =	vperm.xlane v3, v0;
	_ =	sdelay $0x1  }
0x27a: {  	v4 =	vadd.s32 v1, v4;
	_ =	sdelay $0x4  }
0x27b: {  	[tilespmem:s15], [sflag:$0x2] =	stream.indirect_vreg.gather [hbm4b:s1+s3], $0x80, v4, vm0, $0xb8;
	[tilespmem:$0x1C200] =	vst v63  }
0x27c: {  	v3 =	vperm.xlane v3, v2;
	s15 =	simm.s32 $0x4A00  }
0x27d: {  	[tilespmem:s15], [sflag:$0x2] =	stream.indirect_vreg.gather [hbm4b:s5+s3], $0x80, v4, vm0, $0xb8;
	[tilespmem:$0x1C200] =	vst v63  }
0x27e: {  	s16 =	simm.s32 $0x5200;
	v3 =	vadd.s32 v1, v3  }
0x27f: {  	[tilespmem:s16], [sflag:$0x2] =	stream.indirect_vreg.gather [hbm4b:s6+s3], $0x80, v4, vm0, $0xb8;
	[tilespmem:$0x1C200] =	vst v63  }
0x280: {  	s17 =	simm.s32 $0x5A00  }
0x281: {  	[tilespmem:s17], [sflag:$0x2] =	stream.indirect_vreg.gather [hbm4b:s7+s3], $0x80, v4, vm0, $0xb8;
	[tilespmem:$0x1C200] =	vst v63  }
0x282: {  	s19 =	simm.s32 $0x6200  }
0x283: {  	[tilespmem:s19], [sflag:$0x2] =	stream.indirect_vreg.gather [hbm4b:s1+s3], $0x80, v3, vm0, $0xb8;
	[tilespmem:$0x1C200] =	vst v63  }
0x284: {  	s15 =	simm.s32 $0x6A00  }
0x285: {  	[tilespmem:s15], [sflag:$0x2] =	stream.indirect_vreg.gather [hbm4b:s5+s3], $0x80, v3, vm0, $0xb8;
	[tilespmem:$0x1C200] =	vst v63  }
0x286: {  	s16 =	simm.s32 $0x7200  }
0x287: {  	[tilespmem:s16], [sflag:$0x2] =	stream.indirect_vreg.gather [hbm4b:s6+s3], $0x80, v3, vm0, $0xb8;
	[tilespmem:$0x1C200] =	vst v63  }
0x288: {  	s17 =	simm.s32 $0x7A00  }
0x289: {  	[tilespmem:s17], [sflag:$0x2] =	stream.indirect_vreg.gather [hbm4b:s7+s3], $0x80, v3, vm0, $0xb8;
	[tilespmem:$0x1C200] =	vst v63  }
0x28a: {  	_ =	swait.ge [sflag:s28], $0x4000  }
0x28b: {  	[sflag:s28] =	ssyncset.done $0x0  }
0x28c: {  	s2 =	simm.s32 $0x8200;
	s19 =	rddreg [dreg:$0x14];
	[sflag:s28] =	ssyncadd.s32 $0xFFFFC000  }
0x28d: {  	[hbm4b:s19+s3] =	stream.linear.scatter [tilespmem:s2], [sflag:$0xA], $0x4000, $0x38;
	[tilespmem:$0x1C200] =	vst v63  }
0x28e: {  	_ =	swait.ge [sflag:s29], $0x4000  }
0x28f: {  	[sflag:s29] =	ssyncset.done $0x0  }
0x290: {  	[sflag:s29] =	ssyncadd.s32 $0xFFFFC000  }
0x291: {  	v3 =	vld [tilespmem:$0x170];
	_ =	sdelay $0x4  }
0x292: {  	v55 =	vshll.u32 v3, $0x3  }
0x293: {  	v3 =	vand.u32 $0x7, v3;
	v4 =	vand.u32 $0xFFFFFFC0, v55  }
0x294: {  	v3 =	vor.u32 v3, v4  }
0x295: {  	v4 =	vperm.xlane v3, v0;
	_ =	sdelay $0x1  }
0x296: {  	v4 =	vadd.s32 v1, v4;
	_ =	sdelay $0x4  }
0x297: {  	[tilespmem:s2], [sflag:$0x3] =	stream.indirect_vreg.gather [hbm4b:s1+s3], $0x80, v4, vm0, $0xb8;
	[tilespmem:$0x1C200] =	vst v63  }
0x298: {  	s14 =	simm.s32 $0x8A00;
	v3 =	vperm.xlane v3, v2  }
0x299: {  	[tilespmem:s14], [sflag:$0x3] =	stream.indirect_vreg.gather [hbm4b:s5+s3], $0x80, v4, vm0, $0xb8;
	[tilespmem:$0x1C200] =	vst v63  }
0x29a: {  	v3 =	vadd.s32 v1, v3  }
0x29b: {  	[tilespmem:s26], [sflag:$0x3] =	stream.indirect_vreg.gather [hbm4b:s6+s3], $0x80, v4, vm0, $0xb8;
	[tilespmem:$0x1C200] =	vst v63  }
0x29c: {  	s15 =	simm.s32 $0x9A00  }
0x29d: {  	[tilespmem:s15], [sflag:$0x3] =	stream.indirect_vreg.gather [hbm4b:s7+s3], $0x80, v4, vm0, $0xb8;
	[tilespmem:$0x1C200] =	vst v63  }
0x29e: {  	s16 =	simm.s32 $0xA200  }
0x29f: {  	[tilespmem:s16], [sflag:$0x3] =	stream.indirect_vreg.gather [hbm4b:s1+s3], $0x80, v3, vm0, $0xb8;
	[tilespmem:$0x1C200] =	vst v63  }
0x2a0: {  	s19 =	simm.s32 $0xAA00  }
0x2a1: {  	[tilespmem:s19], [sflag:$0x3] =	stream.indirect_vreg.gather [hbm4b:s5+s3], $0x80, v3, vm0, $0xb8;
	[tilespmem:$0x1C200] =	vst v63  }
0x2a2: {  	s14 =	simm.s32 $0xB200  }
0x2a3: {  	[tilespmem:s14], [sflag:$0x3] =	stream.indirect_vreg.gather [hbm4b:s6+s3], $0x80, v3, vm0, $0xb8;
	[tilespmem:$0x1C200] =	vst v63  }
0x2a4: {  	s15 =	simm.s32 $0xBA00  }
0x2a5: {  	[tilespmem:s15], [sflag:$0x3] =	stream.indirect_vreg.gather [hbm4b:s7+s3], $0x80, v3, vm0, $0xb8;
	[tilespmem:$0x1C200] =	vst v63  }
0x2a6: {  	_ =	swait.ge [sflag:s30], $0x4000  }
0x2a7: {  	[sflag:s30] =	ssyncset.done $0x0  }
0x2a8: {  	s10 =	simm.s32 $0xC200;
	s16 =	rddreg [dreg:$0x15];
	[sflag:s30] =	ssyncadd.s32 $0xFFFFC000  }
0x2a9: {  	[hbm4b:s16+s3] =	stream.linear.scatter [tilespmem:s10], [sflag:$0xB], $0x4000, $0x38;
	[tilespmem:$0x1C200] =	vst v63  }
0x2aa: {  	_ =	swait.ge [sflag:s31], $0x4000  }
0x2ab: {  	[sflag:s31] =	ssyncset.done $0x0  }
0x2ac: {  	[sflag:s31] =	ssyncadd.s32 $0xFFFFC000  }
0x2ad: {  	v3 =	vld [tilespmem:$0x180];
	_ =	sdelay $0x4  }
0x2ae: {  	v56 =	vshll.u32 v3, $0x3  }
0x2af: {  	v3 =	vand.u32 $0x7, v3;
	v4 =	vand.u32 $0xFFFFFFC0, v56  }
0x2b0: {  	v3 =	vor.u32 v3, v4  }
0x2b1: {  	v4 =	vperm.xlane v3, v0;
	_ =	sdelay $0x1  }
0x2b2: {  	v4 =	vadd.s32 v1, v4;
	_ =	sdelay $0x4  }
0x2b3: {  	[tilespmem:s10], [sflag:$0x4] =	stream.indirect_vreg.gather [hbm4b:s1+s3], $0x80, v4, vm0, $0xb8;
	[tilespmem:$0x1C200] =	vst v63  }
0x2b4: {  	s19 =	simm.s32 $0xCA00;
	v3 =	vperm.xlane v3, v2  }
0x2b5: {  	[tilespmem:s19], [sflag:$0x4] =	stream.indirect_vreg.gather [hbm4b:s5+s3], $0x80, v4, vm0, $0xb8;
	[tilespmem:$0x1C200] =	vst v63  }
0x2b6: {  	v3 =	vadd.s32 v1, v3;
	s10 =	simm.s32 $0xD200  }
0x2b7: {  	[tilespmem:s10], [sflag:$0x4] =	stream.indirect_vreg.gather [hbm4b:s6+s3], $0x80, v4, vm0, $0xb8;
	[tilespmem:$0x1C200] =	vst v63  }
0x2b8: {  	s14 =	simm.s32 $0xDA00  }
0x2b9: {  	[tilespmem:s14], [sflag:$0x4] =	stream.indirect_vreg.gather [hbm4b:s7+s3], $0x80, v4, vm0, $0xb8;
	[tilespmem:$0x1C200] =	vst v63  }
0x2ba: {  	s15 =	simm.s32 $0xE200  }
0x2bb: {  	[tilespmem:s15], [sflag:$0x4] =	stream.indirect_vreg.gather [hbm4b:s1+s3], $0x80, v3, vm0, $0xb8;
	[tilespmem:$0x1C200] =	vst v63  }
0x2bc: {  	s16 =	simm.s32 $0xEA00  }
0x2bd: {  	[tilespmem:s16], [sflag:$0x4] =	stream.indirect_vreg.gather [hbm4b:s5+s3], $0x80, v3, vm0, $0xb8;
	[tilespmem:$0x1C200] =	vst v63  }
0x2be: {  	s19 =	simm.s32 $0xF200  }
0x2bf: {  	[tilespmem:s19], [sflag:$0x4] =	stream.indirect_vreg.gather [hbm4b:s6+s3], $0x80, v3, vm0, $0xb8;
	[tilespmem:$0x1C200] =	vst v63  }
0x2c0: {  	_ = 	snop  }
0x2c1: {  	[tilespmem:s21], [sflag:$0x4] =	stream.indirect_vreg.gather [hbm4b:s7+s3], $0x80, v3, vm0, $0xb8;
	[tilespmem:$0x1C200] =	vst v63  }
0x2c2: {  	_ =	swait.ge [sflag:s0], $0x4000  }
0x2c3: {  	[sflag:s0] =	ssyncset.done $0x0  }
0x2c4: {  	s2 =	simm.s32 $0x10200;
	s21 =	rddreg [dreg:$0x16];
	[sflag:s0] =	ssyncadd.s32 $0xFFFFC000  }
0x2c5: {  	[hbm4b:s21+s3] =	stream.linear.scatter [tilespmem:s2], [sflag:$0xC], $0x4000, $0x38;
	[tilespmem:$0x1C200] =	vst v63  }
0x2c6: {  	_ =	swait.ge [sflag:s9], $0x4000  }
0x2c7: {  	[sflag:s9] =	ssyncset.done $0x0  }
0x2c8: {  	[sflag:s9] =	ssyncadd.s32 $0xFFFFC000  }
0x2c9: {  	v3 =	vld [tilespmem:$0x190];
	_ =	sdelay $0x4  }
0x2ca: {  	v57 =	vshll.u32 v3, $0x3  }
0x2cb: {  	v3 =	vand.u32 $0x7, v3;
	v4 =	vand.u32 $0xFFFFFFC0, v57  }
0x2cc: {  	v3 =	vor.u32 v3, v4  }
0x2cd: {  	v4 =	vperm.xlane v3, v0;
	_ =	sdelay $0x1  }
0x2ce: {  	v4 =	vadd.s32 v1, v4;
	_ =	sdelay $0x4  }
0x2cf: {  	[tilespmem:s2], [sflag:$0x5] =	stream.indirect_vreg.gather [hbm4b:s1+s3], $0x80, v4, vm0, $0xb8;
	[tilespmem:$0x1C200] =	vst v63  }
0x2d0: {  	s15 =	simm.s32 $0x10A00;
	v3 =	vperm.xlane v3, v2  }
0x2d1: {  	[tilespmem:s15], [sflag:$0x5] =	stream.indirect_vreg.gather [hbm4b:s5+s3], $0x80, v4, vm0, $0xb8;
	[tilespmem:$0x1C200] =	vst v63  }
0x2d2: {  	s21 =	simm.s32 $0x11200;
	v3 =	vadd.s32 v1, v3  }
0x2d3: {  	[tilespmem:s21], [sflag:$0x5] =	stream.indirect_vreg.gather [hbm4b:s6+s3], $0x80, v4, vm0, $0xb8;
	[tilespmem:$0x1C200] =	vst v63  }
0x2d4: {  	s10 =	simm.s32 $0x11A00  }
0x2d5: {  	[tilespmem:s10], [sflag:$0x5] =	stream.indirect_vreg.gather [hbm4b:s7+s3], $0x80, v4, vm0, $0xb8;
	[tilespmem:$0x1C200] =	vst v63  }
0x2d6: {  	s14 =	simm.s32 $0x12200  }
0x2d7: {  	[tilespmem:s14], [sflag:$0x5] =	stream.indirect_vreg.gather [hbm4b:s1+s3], $0x80, v3, vm0, $0xb8;
	[tilespmem:$0x1C200] =	vst v63  }
0x2d8: {  	s15 =	simm.s32 $0x12A00  }
0x2d9: {  	[tilespmem:s15], [sflag:$0x5] =	stream.indirect_vreg.gather [hbm4b:s5+s3], $0x80, v3, vm0, $0xb8;
	[tilespmem:$0x1C200] =	vst v63  }
0x2da: {  	s21 =	simm.s32 $0x13200  }
0x2db: {  	[tilespmem:s21], [sflag:$0x5] =	stream.indirect_vreg.gather [hbm4b:s6+s3], $0x80, v3, vm0, $0xb8;
	[tilespmem:$0x1C200] =	vst v63  }
0x2dc: {  	s20 =	simm.s32 $0x13A00  }
0x2dd: {  	[tilespmem:s20], [sflag:$0x5] =	stream.indirect_vreg.gather [hbm4b:s7+s3], $0x80, v3, vm0, $0xb8;
	[tilespmem:$0x1C200] =	vst v63  }
0x2de: {  	_ =	swait.ge [sflag:s11], $0x4000  }
0x2df: {  	[sflag:s11] =	ssyncset.done $0x0  }
0x2e0: {  	s10 =	simm.s32 $0x14200;
	s2 =	rddreg [dreg:$0x17];
	[sflag:s11] =	ssyncadd.s32 $0xFFFFC000  }
0x2e1: {  	[hbm4b:s2+s3] =	stream.linear.scatter [tilespmem:s10], [sflag:$0xD], $0x4000, $0x38;
	[tilespmem:$0x1C200] =	vst v63  }
0x2e2: {  	_ =	swait.ge [sflag:s12], $0x4000  }
0x2e3: {  	[sflag:s12] =	ssyncset.done $0x0  }
0x2e4: {  	[sflag:s12] =	ssyncadd.s32 $0xFFFFC000  }
0x2e5: {  	v3 =	vld [tilespmem:$0x1A0];
	_ =	sdelay $0x4  }
0x2e6: {  	v58 =	vshll.u32 v3, $0x3  }
0x2e7: {  	v3 =	vand.u32 $0x7, v3;
	v4 =	vand.u32 $0xFFFFFFC0, v58  }
0x2e8: {  	v3 =	vor.u32 v3, v4  }
0x2e9: {  	v4 =	vperm.xlane v3, v0;
	_ =	sdelay $0x1  }
0x2ea: {  	v4 =	vadd.s32 v1, v4;
	_ =	sdelay $0x4  }
0x2eb: {  	[tilespmem:s10], [sflag:$0x6] =	stream.indirect_vreg.gather [hbm4b:s1+s3], $0x80, v4, vm0, $0xb8;
	[tilespmem:$0x1C200] =	vst v63  }
0x2ec: {  	s15 =	simm.s32 $0x14A00;
	v3 =	vperm.xlane v3, v2  }
0x2ed: {  	[tilespmem:s15], [sflag:$0x6] =	stream.indirect_vreg.gather [hbm4b:s5+s3], $0x80, v4, vm0, $0xb8;
	[tilespmem:$0x1C200] =	vst v63  }
0x2ee: {  	s21 =	simm.s32 $0x15200;
	v3 =	vadd.s32 v1, v3  }
0x2ef: {  	[tilespmem:s21], [sflag:$0x6] =	stream.indirect_vreg.gather [hbm4b:s6+s3], $0x80, v4, vm0, $0xb8;
	[tilespmem:$0x1C200] =	vst v63  }
0x2f0: {  	s10 =	simm.s32 $0x15A00  }
0x2f1: {  	[tilespmem:s10], [sflag:$0x6] =	stream.indirect_vreg.gather [hbm4b:s7+s3], $0x80, v4, vm0, $0xb8;
	[tilespmem:$0x1C200] =	vst v63  }
0x2f2: {  	s14 =	simm.s32 $0x16200  }
0x2f3: {  	[tilespmem:s14], [sflag:$0x6] =	stream.indirect_vreg.gather [hbm4b:s1+s3], $0x80, v3, vm0, $0xb8;
	[tilespmem:$0x1C200] =	vst v63  }
0x2f4: {  	s15 =	simm.s32 $0x16A00  }
0x2f5: {  	[tilespmem:s15], [sflag:$0x6] =	stream.indirect_vreg.gather [hbm4b:s5+s3], $0x80, v3, vm0, $0xb8;
	[tilespmem:$0x1C200] =	vst v63  }
0x2f6: {  	s18 =	simm.s32 $0x17200  }
0x2f7: {  	[tilespmem:s18], [sflag:$0x6] =	stream.indirect_vreg.gather [hbm4b:s6+s3], $0x80, v3, vm0, $0xb8;
	[tilespmem:$0x1C200] =	vst v63  }
0x2f8: {  	s18 =	simm.s32 $0x17A00  }
0x2f9: {  	[tilespmem:s18], [sflag:$0x6] =	stream.indirect_vreg.gather [hbm4b:s7+s3], $0x80, v3, vm0, $0xb8;
	[tilespmem:$0x1C200] =	vst v63  }
0x2fa: {  	_ =	swait.ge [sflag:s13], $0x4000  }
0x2fb: {  	[sflag:s13] =	ssyncset.done $0x0  }
0x2fc: {  	s2 =	simm.s32 $0x18200;
	s21 =	rddreg [dreg:$0x18];
	[sflag:s13] =	ssyncadd.s32 $0xFFFFC000  }
0x2fd: {  	[hbm4b:s21+s3] =	stream.linear.scatter [tilespmem:s2], [sflag:$0xE], $0x4000, $0x38;
	[tilespmem:$0x1C200] =	vst v63  }
0x2fe: {  	_ =	swait.ge [sflag:s8], $0x4000  }
0x2ff: {  	[sflag:s8] =	ssyncset.done $0x0  }
0x300: {  	[sflag:s8] =	ssyncadd.s32 $0xFFFFC000  }
0x301: {  	v3 =	vld [tilespmem:$0x1B0];
	_ =	sdelay $0x4  }
0x302: {  	v59 =	vshll.u32 v3, $0x3  }
0x303: {  	v3 =	vand.u32 $0x7, v3;
	v4 =	vand.u32 $0xFFFFFFC0, v59  }
0x304: {  	v3 =	vor.u32 v3, v4  }
0x305: {  	v4 =	vperm.xlane v3, v0;
	_ =	sdelay $0x1  }
0x306: {  	v4 =	vadd.s32 v1, v4;
	_ =	sdelay $0x4  }
0x307: {  	[tilespmem:s2], [sflag:$0x7] =	stream.indirect_vreg.gather [hbm4b:s1+s3], $0x80, v4, vm0, $0xb8;
	[tilespmem:$0x1C200] =	vst v63  }
0x308: {  	s14 =	simm.s32 $0x18A00;
	v3 =	vperm.xlane v3, v2  }
0x309: {  	[tilespmem:s14], [sflag:$0x7] =	stream.indirect_vreg.gather [hbm4b:s5+s3], $0x80, v4, vm0, $0xb8;
	[tilespmem:$0x1C200] =	vst v63  }
0x30a: {  	s15 =	simm.s32 $0x19200;
	v3 =	vadd.s32 v1, v3  }
0x30b: {  	[tilespmem:s15], [sflag:$0x7] =	stream.indirect_vreg.gather [hbm4b:s6+s3], $0x80, v4, vm0, $0xb8;
	[tilespmem:$0x1C200] =	vst v63  }
0x30c: {  	s18 =	simm.s32 $0x19A00  }
0x30d: {  	[tilespmem:s18], [sflag:$0x7] =	stream.indirect_vreg.gather [hbm4b:s7+s3], $0x80, v4, vm0, $0xb8;
	[tilespmem:$0x1C200] =	vst v63  }
0x30e: {  	s21 =	simm.s32 $0x1A200  }
0x30f: {  	[tilespmem:s21], [sflag:$0x7] =	stream.indirect_vreg.gather [hbm4b:s1+s3], $0x80, v3, vm0, $0xb8;
	[tilespmem:$0x1C200] =	vst v63  }
0x310: {  	s14 =	simm.s32 $0x1AA00  }
0x311: {  	[tilespmem:s14], [sflag:$0x7] =	stream.indirect_vreg.gather [hbm4b:s5+s3], $0x80, v3, vm0, $0xb8;
	[tilespmem:$0x1C200] =	vst v63  }
0x312: {  	s15 =	simm.s32 $0x1B200  }
0x313: {  	[tilespmem:s15], [sflag:$0x7] =	stream.indirect_vreg.gather [hbm4b:s6+s3], $0x80, v3, vm0, $0xb8;
	[tilespmem:$0x1C200] =	vst v63  }
0x314: {  	s18 =	simm.s32 $0x1BA00  }
0x315: {  	[tilespmem:s18], [sflag:$0x7] =	stream.indirect_vreg.gather [hbm4b:s7+s3], $0x80, v3, vm0, $0xb8;
	[tilespmem:$0x1C200] =	vst v63  }
0x316: {  	_ =	swait.ge [sflag:s22], $0x4000  }
0x317: {  	[sflag:s22] =	ssyncset.done $0x0  }
0x318: {  	s2 =	simm.s32 $0x200;
	s21 =	rddreg [dreg:$0x19];
	[sflag:s22] =	ssyncadd.s32 $0xFFFFC000  }
0x319: {  	[hbm4b:s21+s3] =	stream.linear.scatter [tilespmem:s2], [sflag:$0x8], $0x4000, $0x38;
	[tilespmem:$0x1C200] =	vst v63  }
0x31a: {  	_ =	swait.ge [sflag:s23], $0x4000  }
0x31b: {  	[sflag:s23] =	ssyncset.done $0x0  }
0x31c: {  	[sflag:s23] =	ssyncadd.s32 $0xFFFFC000  }
0x31d: {  	v3 =	vld [tilespmem:$0x1C0];
	_ =	sdelay $0x4  }
0x31e: {  	v60 =	vshll.u32 v3, $0x3  }
0x31f: {  	v3 =	vand.u32 $0x7, v3;
	v4 =	vand.u32 $0xFFFFFFC0, v60  }
0x320: {  	v3 =	vor.u32 v3, v4  }
0x321: {  	v4 =	vperm.xlane v3, v0;
	_ =	sdelay $0x1  }
0x322: {  	v4 =	vadd.s32 v1, v4;
	_ =	sdelay $0x4  }
0x323: {  	[tilespmem:s2], [sflag:$0x1] =	stream.indirect_vreg.gather [hbm4b:s1+s3], $0x80, v4, vm0, $0xb8;
	[tilespmem:$0x1C200] =	vst v63  }
0x324: {  	s18 =	simm.s32 $0xA00;
	v3 =	vperm.xlane v3, v2  }
0x325: {  	[tilespmem:s18], [sflag:$0x1] =	stream.indirect_vreg.gather [hbm4b:s5+s3], $0x80, v4, vm0, $0xb8;
	[tilespmem:$0x1C200] =	vst v63  }
0x326: {  	s21 =	simm.s32 $0x1200;
	v3 =	vadd.s32 v1, v3  }
0x327: {  	[tilespmem:s21], [sflag:$0x1] =	stream.indirect_vreg.gather [hbm4b:s6+s3], $0x80, v4, vm0, $0xb8;
	[tilespmem:$0x1C200] =	vst v63  }
0x328: {  	s14 =	simm.s32 $0x1A00  }
0x329: {  	[tilespmem:s14], [sflag:$0x1] =	stream.indirect_vreg.gather [hbm4b:s7+s3], $0x80, v4, vm0, $0xb8;
	[tilespmem:$0x1C200] =	vst v63  }
0x32a: {  	s18 =	simm.s32 $0x2200  }
0x32b: {  	[tilespmem:s18], [sflag:$0x1] =	stream.indirect_vreg.gather [hbm4b:s1+s3], $0x80, v3, vm0, $0xb8;
	[tilespmem:$0x1C200] =	vst v63  }
0x32c: {  	s21 =	simm.s32 $0x2A00  }
0x32d: {  	[tilespmem:s21], [sflag:$0x1] =	stream.indirect_vreg.gather [hbm4b:s5+s3], $0x80, v3, vm0, $0xb8;
	[tilespmem:$0x1C200] =	vst v63  }
0x32e: {  	s14 =	simm.s32 $0x3200  }
0x32f: {  	[tilespmem:s14], [sflag:$0x1] =	stream.indirect_vreg.gather [hbm4b:s6+s3], $0x80, v3, vm0, $0xb8;
	[tilespmem:$0x1C200] =	vst v63  }
0x330: {  	s18 =	simm.s32 $0x3A00  }
0x331: {  	[tilespmem:s18], [sflag:$0x1] =	stream.indirect_vreg.gather [hbm4b:s7+s3], $0x80, v3, vm0, $0xb8;
	[tilespmem:$0x1C200] =	vst v63  }
0x332: {  	_ =	swait.ge [sflag:s24], $0x4000  }
0x333: {  	[sflag:s24] =	ssyncset.done $0x0  }
0x334: {  	s2 =	simm.s32 $0x4200;
	s21 =	rddreg [dreg:$0x1a];
	[sflag:s24] =	ssyncadd.s32 $0xFFFFC000  }
0x335: {  	[hbm4b:s21+s3] =	stream.linear.scatter [tilespmem:s2], [sflag:$0x9], $0x4000, $0x38;
	[tilespmem:$0x1C200] =	vst v63  }
0x336: {  	_ =	swait.ge [sflag:s25], $0x4000  }
0x337: {  	[sflag:s25] =	ssyncset.done $0x0  }
0x338: {  	[sflag:s25] =	ssyncadd.s32 $0xFFFFC000  }
0x339: {  	v3 =	vld [tilespmem:$0x1D0];
	_ =	sdelay $0x4  }
0x33a: {  	v61 =	vshll.u32 v3, $0x3  }
0x33b: {  	v3 =	vand.u32 $0x7, v3;
	v4 =	vand.u32 $0xFFFFFFC0, v61  }
0x33c: {  	v3 =	vor.u32 v3, v4  }
0x33d: {  	v4 =	vperm.xlane v3, v0;
	_ =	sdelay $0x1  }
0x33e: {  	v4 =	vadd.s32 v1, v4;
	_ =	sdelay $0x4  }
0x33f: {  	[tilespmem:s2], [sflag:$0x2] =	stream.indirect_vreg.gather [hbm4b:s1+s3], $0x80, v4, vm0, $0xb8;
	[tilespmem:$0x1C200] =	vst v63  }
0x340: {  	s21 =	simm.s32 $0x4A00;
	v3 =	vperm.xlane v3, v2  }
0x341: {  	[tilespmem:s21], [sflag:$0x2] =	stream.indirect_vreg.gather [hbm4b:s5+s3], $0x80, v4, vm0, $0xb8;
	[tilespmem:$0x1C200] =	vst v63  }
0x342: {  	s14 =	simm.s32 $0x5200;
	v3 =	vadd.s32 v1, v3  }
0x343: {  	[tilespmem:s14], [sflag:$0x2] =	stream.indirect_vreg.gather [hbm4b:s6+s3], $0x80, v4, vm0, $0xb8;
	[tilespmem:$0x1C200] =	vst v63  }
0x344: {  	s21 =	simm.s32 $0x5A00  }
0x345: {  	[tilespmem:s21], [sflag:$0x2] =	stream.indirect_vreg.gather [hbm4b:s7+s3], $0x80, v4, vm0, $0xb8;
	[tilespmem:$0x1C200] =	vst v63  }
0x346: {  	s14 =	simm.s32 $0x6200  }
0x347: {  	[tilespmem:s14], [sflag:$0x2] =	stream.indirect_vreg.gather [hbm4b:s1+s3], $0x80, v3, vm0, $0xb8;
	[tilespmem:$0x1C200] =	vst v63  }
0x348: {  	s21 =	simm.s32 $0x6A00  }
0x349: {  	[tilespmem:s21], [sflag:$0x2] =	stream.indirect_vreg.gather [hbm4b:s5+s3], $0x80, v3, vm0, $0xb8;
	[tilespmem:$0x1C200] =	vst v63  }
0x34a: {  	s14 =	simm.s32 $0x7200  }
0x34b: {  	[tilespmem:s14], [sflag:$0x2] =	stream.indirect_vreg.gather [hbm4b:s6+s3], $0x80, v3, vm0, $0xb8;
	[tilespmem:$0x1C200] =	vst v63  }
0x34c: {  	s21 =	simm.s32 $0x7A00  }
0x34d: {  	[tilespmem:s21], [sflag:$0x2] =	stream.indirect_vreg.gather [hbm4b:s7+s3], $0x80, v3, vm0, $0xb8;
	[tilespmem:$0x1C200] =	vst v63  }
0x34e: {  	_ =	swait.ge [sflag:s28], $0x4000  }
0x34f: {  	[sflag:s28] =	ssyncset.done $0x0  }
0x350: {  	s21 =	simm.s32 $0x8200;
	s2 =	rddreg [dreg:$0x1b];
	[sflag:s28] =	ssyncadd.s32 $0xFFFFC000  }
0x351: {  	[hbm4b:s2+s3] =	stream.linear.scatter [tilespmem:s21], [sflag:$0xA], $0x4000, $0x38;
	[tilespmem:$0x1C200] =	vst v63  }
0x352: {  	_ =	swait.ge [sflag:s29], $0x4000  }
0x353: {  	[sflag:s29] =	ssyncset.done $0x0  }
0x354: {  	[sflag:s29] =	ssyncadd.s32 $0xFFFFC000  }
0x355: {  	v3 =	vld [tilespmem:$0x1E0];
	_ =	sdelay $0x4  }
0x356: {  	v62 =	vshll.u32 v3, $0x3  }
0x357: {  	v3 =	vand.u32 $0x7, v3;
	v4 =	vand.u32 $0xFFFFFFC0, v62  }
0x358: {  	v3 =	vor.u32 v3, v4  }
0x359: {  	v4 =	vperm.xlane v3, v0;
	_ =	sdelay $0x1  }
0x35a: {  	v4 =	vadd.s32 v1, v4;
	_ =	sdelay $0x4  }
0x35b: {  	[tilespmem:s21], [sflag:$0x3] =	stream.indirect_vreg.gather [hbm4b:s1+s3], $0x80, v4, vm0, $0xb8;
	[tilespmem:$0x1C200] =	vst v63  }
0x35c: {  	v3 =	vperm.xlane v3, v2;
	s21 =	simm.s32 $0x8A00  }
0x35d: {  	[tilespmem:s21], [sflag:$0x3] =	stream.indirect_vreg.gather [hbm4b:s5+s3], $0x80, v4, vm0, $0xb8;
	[tilespmem:$0x1C200] =	vst v63  }
0x35e: {  	s26 =	simm.s32 $0x9200;
	v3 =	vadd.s32 v1, v3  }
0x35f: {  	[tilespmem:s26], [sflag:$0x3] =	stream.indirect_vreg.gather [hbm4b:s6+s3], $0x80, v4, vm0, $0xb8;
	[tilespmem:$0x1C200] =	vst v63  }
0x360: {  	s17 =	simm.s32 $0x9A00  }
0x361: {  	[tilespmem:s17], [sflag:$0x3] =	stream.indirect_vreg.gather [hbm4b:s7+s3], $0x80, v4, vm0, $0xb8;
	[tilespmem:$0x1C200] =	vst v63  }
0x362: {  	s21 =	simm.s32 $0xA200  }
0x363: {  	[tilespmem:s21], [sflag:$0x3] =	stream.indirect_vreg.gather [hbm4b:s1+s3], $0x80, v3, vm0, $0xb8;
	[tilespmem:$0x1C200] =	vst v63  }
0x364: {  	s26 =	simm.s32 $0xAA00  }
0x365: {  	[tilespmem:s26], [sflag:$0x3] =	stream.indirect_vreg.gather [hbm4b:s5+s3], $0x80, v3, vm0, $0xb8;
	[tilespmem:$0x1C200] =	vst v63  }
0x366: {  	s17 =	simm.s32 $0xB200  }
0x367: {  	[tilespmem:s17], [sflag:$0x3] =	stream.indirect_vreg.gather [hbm4b:s6+s3], $0x80, v3, vm0, $0xb8;
	[tilespmem:$0x1C200] =	vst v63  }
0x368: {  	s21 =	simm.s32 $0xBA00  }
0x369: {  	[tilespmem:s21], [sflag:$0x3] =	stream.indirect_vreg.gather [hbm4b:s7+s3], $0x80, v3, vm0, $0xb8;
	[tilespmem:$0x1C200] =	vst v63  }
0x36a: {  	_ =	swait.ge [sflag:s30], $0x4000  }
0x36b: {  	[sflag:s30] =	ssyncset.done $0x0  }
0x36c: {  	s17 =	simm.s32 $0xC200;
	s26 =	rddreg [dreg:$0x1c];
	[sflag:s30] =	ssyncadd.s32 $0xFFFFC000  }
0x36d: {  	[hbm4b:s26+s3] =	stream.linear.scatter [tilespmem:s17], [sflag:$0xB], $0x4000, $0x38;
	[tilespmem:$0x1C200] =	vst v63  }
0x36e: {  	_ =	swait.ge [sflag:s31], $0x4000  }
0x36f: {  	[sflag:s31] =	ssyncset.done $0x0  }
0x370: {  	[sflag:s31] =	ssyncadd.s32 $0xFFFFC000  }
0x371: {  	v3 =	vld [tilespmem:$0x1F0];
	_ =	sdelay $0x4  }
0x372: {  	v63 =	vshll.u32 v3, $0x3  }
0x373: {  	v3 =	vand.u32 $0x7, v3;
	v4 =	vand.u32 $0xFFFFFFC0, v63  }
0x374: {  	v3 =	vor.u32 v3, v4  }
0x375: {  	v4 =	vperm.xlane v3, v0;
	_ =	sdelay $0x1  }
0x376: {  	v4 =	vadd.s32 v1, v4;
	_ =	sdelay $0x4  }
0x377: {  	[tilespmem:s17], [sflag:$0x4] =	stream.indirect_vreg.gather [hbm4b:s1+s3], $0x80, v4, vm0, $0xb8;
	[tilespmem:$0x1C200] =	vst v63  }
0x378: {  	s21 =	simm.s32 $0xCA00;
	v3 =	vperm.xlane v3, v2  }
0x379: {  	[tilespmem:s21], [sflag:$0x4] =	stream.indirect_vreg.gather [hbm4b:s5+s3], $0x80, v4, vm0, $0xb8;
	[tilespmem:$0x1C200] =	vst v63  }
0x37a: {  	v3 =	vadd.s32 v1, v3;
	s17 =	simm.s32 $0xD200  }
0x37b: {  	[tilespmem:s17], [sflag:$0x4] =	stream.indirect_vreg.gather [hbm4b:s6+s3], $0x80, v4, vm0, $0xb8;
	[tilespmem:$0x1C200] =	vst v63  }
0x37c: {  	s21 =	simm.s32 $0xDA00  }
0x37d: {  	[tilespmem:s21], [sflag:$0x4] =	stream.indirect_vreg.gather [hbm4b:s7+s3], $0x80, v4, vm0, $0xb8;
	[tilespmem:$0x1C200] =	vst v63  }
0x37e: {  	s17 =	simm.s32 $0xE200  }
0x37f: {  	[tilespmem:s17], [sflag:$0x4] =	stream.indirect_vreg.gather [hbm4b:s1+s3], $0x80, v3, vm0, $0xb8;
	[tilespmem:$0x1C200] =	vst v63  }
0x380: {  	s21 =	simm.s32 $0xEA00  }
0x381: {  	[tilespmem:s21], [sflag:$0x4] =	stream.indirect_vreg.gather [hbm4b:s5+s3], $0x80, v3, vm0, $0xb8;
	[tilespmem:$0x1C200] =	vst v63  }
0x382: {  	s17 =	simm.s32 $0xF200  }
0x383: {  	[tilespmem:s17], [sflag:$0x4] =	stream.indirect_vreg.gather [hbm4b:s6+s3], $0x80, v3, vm0, $0xb8;
	[tilespmem:$0x1C200] =	vst v63  }
0x384: {  	s19 =	simm.s32 $0xFA00  }
0x385: {  	[tilespmem:s19], [sflag:$0x4] =	stream.indirect_vreg.gather [hbm4b:s7+s3], $0x80, v3, vm0, $0xb8;
	[tilespmem:$0x1C200] =	vst v63  }
0x386: {  	_ =	swait.ge [sflag:s0], $0x4000  }
0x387: {  	[sflag:s0] =	ssyncset.done $0x0  }
0x388: {  	s16 =	simm.s32 $0x10200;
	s21 =	rddreg [dreg:$0x1d];
	[sflag:s0] =	ssyncadd.s32 $0xFFFFC000  }
0x389: {  	[hbm4b:s21+s3] =	stream.linear.scatter [tilespmem:s16], [sflag:$0xC], $0x4000, $0x38;
	[tilespmem:$0x1C200] =	vst v63  }
0x38a: {  	_ =	swait.ge [sflag:s11], $0x4000  }
0x38b: {  	[sflag:s11] =	ssyncset.done $0x0  }
0x38c: {  	s20 =	simm.s32 $0x14200;
	s0 =	rddreg [dreg:$0x1e];
	[sflag:s11] =	ssyncadd.s32 $0xFFFFC000  }
0x38d: {  	[hbm4b:s0+s3] =	stream.linear.scatter [tilespmem:s20], [sflag:$0xD], $0x4000, $0x38;
	[tilespmem:$0x1C200] =	vst v63  }
0x38e: {  	_ =	swait.ge [sflag:s13], $0x4000  }
0x38f: {  	[sflag:s13] =	ssyncset.done $0x0  }
0x390: {  	s10 =	simm.s32 $0x18200;
	s16 =	rddreg [dreg:$0x1f];
	[sflag:s13] =	ssyncadd.s32 $0xFFFFC000  }
0x391: {  	[hbm4b:s16+s3] =	stream.linear.scatter [tilespmem:s10], [sflag:$0xE], $0x4000, $0x38;
	[tilespmem:$0x1C200] =	vst v63  }
0x392: {  	_ =	swait.ge [sflag:s22], $0x4000  }
0x393: {  	s17 =	sld [smem:$0x7F9]  }
0x394: {  	[sflag:s22] =	ssyncset.done $0x0  }
0x395: {  	s15 =	simm.s32 $0x200;
	[sflag:s22] =	ssyncadd.s32 $0xFFFFC000  }
0x396: {  	[hbm4b:s17+s3] =	stream.linear.scatter [tilespmem:s15], [sflag:$0x8], $0x4000, $0x38;
	[tilespmem:$0x1C200] =	vst v63  }
0x397: {  	_ =	swait.ge [sflag:s24], $0x4000  }
0x398: {  	s19 =	sld [smem:$0x7FA]  }
0x399: {  	[sflag:s24] =	ssyncset.done $0x0  }
0x39a: {  	s18 =	simm.s32 $0x4200;
	[sflag:s24] =	ssyncadd.s32 $0xFFFFC000  }
0x39b: {  	[hbm4b:s19+s3] =	stream.linear.scatter [tilespmem:s18], [sflag:$0x9], $0x4000, $0x38;
	[tilespmem:$0x1C200] =	vst v63  }
0x39c: {  	_ =	swait.ge [sflag:s28], $0x4000  }
0x39d: {  	s20 =	sld [smem:$0x7FB]  }
0x39e: {  	[sflag:s28] =	ssyncset.done $0x0  }
0x39f: {  	s2 =	simm.s32 $0x8200;
	[sflag:s28] =	ssyncadd.s32 $0xFFFFC000  }
0x3a0: {  	[hbm4b:s20+s3] =	stream.linear.scatter [tilespmem:s2], [sflag:$0xA], $0x4000, $0x38;
	[tilespmem:$0x1C200] =	vst v63  }
0x3a1: {  	_ =	swait.ge [sflag:s30], $0x4000  }
0x3a2: {  	s21 =	sld [smem:$0x7FD]  }
0x3a3: {  	[sflag:s30] =	ssyncset.done $0x0  }
0x3a4: {  	s26 =	simm.s32 $0xC200;
	[sflag:s30] =	ssyncadd.s32 $0xFFFFC000  }
0x3a5: {  	[hbm4b:s21+s3] =	stream.linear.scatter [tilespmem:s26], [sflag:$0xB], $0x4000, $0x38;
	[tilespmem:$0x1C200] =	vst v63  }
0x3a6: {  	_ =	swait.ge [sflag:s23], $0x4000  }
0x3a7: {  	[sflag:s23] =	ssyncset.done $0x0  }
0x3a8: {  	[sflag:s23] =	ssyncadd.s32 $0xFFFFC000  }
0x3a9: {  	_ =	swait.ge [sflag:s25], $0x4000  }
0x3aa: {  	[sflag:s25] =	ssyncset.done $0x0  }
0x3ab: {  	[sflag:s25] =	ssyncadd.s32 $0xFFFFC000  }
0x3ac: {  	_ =	swait.ge [sflag:s29], $0x4000  }
0x3ad: {  	[sflag:s29] =	ssyncset.done $0x0  }
0x3ae: {  	[sflag:s29] =	ssyncadd.s32 $0xFFFFC000  }
0x3af: {  	_ =	swait.ge [sflag:s31], $0x4000  }
0x3b0: {  	[sflag:s31] =	ssyncset.done $0x0  }
0x3b1: {  	[sflag:s31] =	ssyncadd.s32 $0xFFFFC000  }
0x3b2: {  	_ =	swait.ge [sflag:s9], $0x4000  }
0x3b3: {  	[sflag:s9] =	ssyncset.done $0x0  }
0x3b4: {  	[sflag:s9] =	ssyncadd.s32 $0xFFFFC000  }
0x3b5: {  	p0 =	sne.s32 s4, $0x1;
	_ =	swait.ge [sflag:s12], $0x4000  }
.Ltmp0:
0x3b6: {  	[sflag:s12] =	ssyncset.done $0x0;
	(pc) =	sbr.rel @p0 .LBB2_1-.Ltmp0, $4  }
0x3b7: {  	[sflag:s12] =	ssyncadd.s32 $0xFFFFC000  }
0x3b8: {  	_ =	swait.ge [sflag:s8], $0x4000  }
0x3b9: {  	[sflag:s8] =	ssyncset.done $0x0  }
0x3ba: {  	s4 =	sadd.s32 $0xFFFFFFFF, s4;
	[sflag:s8] =	ssyncadd.s32 $0xFFFFC000  }
0x3bb: {  	_ =	sfence.sel $0x180000  }
0x3bc: {  	[bflag:$0x0] =	sbarrier.arrive $0xFFFF  }
0x3bd: {  	_ =	strace $0x90000047  }
0x3be: {  	s0 =	stileid.u32;
	[bflag:$0x2] =	sbarrier.arrive $0xFFFF  }
0x3bf: {  	p0 =	sne.s32 s0, $0x0;
	s0 =	rddreg [dreg:$0x3]  }
0x3c0: {  	s0 =	sadd.s32 @!p0 $0x100000, s0  }
0x3c1: {  	[sflag:s0] =	ssyncadd.tile.s32 @!p0 $0x1;
	_ =	shalt  }
.Lfunc_end2:
_tile_overlayer_lowered:
.L_overlay_start_2:
0x3c2: {  	(tag) =	ssettag $0x2  }
0x3c3: {  	s0 =	rddreg [dreg:$0x0];
	s2 =	stileid.u32  }
0x3c4: {  	s1 =	rddreg [dreg:$0x1];
	p0 =	sne.s32 s2, $0x0  }
0x3c5: {  	s3 =	rddreg [dreg:$0x2];
	[bflag:$0x3] =	sbarrier.arrive $0xFFFF;
	s2 =	simm.s32 @!p0 $0x1C0F  }
0x3c6: {  	[timem:s3], [sflag:s2] =	dma.local @!p0 [hbm:s0], s1  }
0x3c7: {  	s0 =	simm.s32 @!p0 $0xF  }
0x3c8: {  	_ =	swait.ge @!p0 [sflag:s0], s1  }
0x3c9: {  	s1 =	ssub.s32 @!p0 $0x0, s1;
	[sflag:s0] =	ssyncset.done @!p0 $0x0  }
0x3ca: {  	[sflag:s0] =	ssyncadd.s32 @!p0 s1  }
0x3cb: {  	[bflag:$0x3] =	sbarrier.arrive $0xFFFF  }
0x3cc: {  	_ =	shalt  }

</sc_bundles>
